<compile_context>
chip_gen: v7x
topology: tpu7x:2x2x1
jax: 0.10.2.dev20260603
libtpu: 0.0.44.dev20260713+nightly
codegen_flags: <defaults>
</compile_context>

<pallas_src>
import functools

import jax
import jax.numpy as jnp
from jax import lax
from jax.experimental import pallas as pl
from jax.experimental.pallas import tpu as pltpu
from jax.experimental.pallas import tpu_sc as plsc

_B = 64
_S = 1025
_L = 1024
_K = 512
_D = 768
_OUT_S = 1 + _K
_TOTAL = _B * _OUT_S
_NW = 32
_CHUNK = 64
_NCH_W = 16
_ROWS_W = _NCH_W * _CHUNK
_TAIL_BASE = _NW * _ROWS_W


def _gather_body(table_hbm, idx_hbm, out_hbm, idx_v, idx_t, buf0, buf1,
                 semg0, semg1, sems0, sems1):
    wid = lax.axis_index("s") * 2 + lax.axis_index("c")
    base = wid * _ROWS_W
    pltpu.sync_copy(idx_hbm.at[pl.ds(base, _ROWS_W)], idx_v)

    bufs = (buf0, buf1)
    semg = (semg0, semg1)
    sems = (sems0, sems1)

    def gather(j):
        k = j % 2
        return pltpu.async_copy(
            table_hbm.at[idx_v.at[pl.ds(j * _CHUNK, _CHUNK)]], bufs[k], semg[k]
        )

    def store(j):
        k = j % 2
        return pltpu.async_copy(
            bufs[k], out_hbm.at[pl.ds(base + j * _CHUNK, _CHUNK)], sems[k]
        )

    g_d = gather(0)
    s_prev = None
    for j in range(_NCH_W):
        g_d.wait()
        s_d = store(j)
        if s_prev is not None:
            s_prev.wait()
        if j + 1 < _NCH_W:
            g_d = gather(j + 1)
        s_prev = s_d
    s_prev.wait()

    @pl.when(wid == 0)
    def _():
        pltpu.sync_copy(idx_hbm.at[pl.ds(_TAIL_BASE, _CHUNK)], idx_t)
        pltpu.async_copy(table_hbm.at[idx_t], buf0, semg0).wait()
        pltpu.sync_copy(buf0, out_hbm.at[pl.ds(_TAIL_BASE, _CHUNK)])


@functools.partial(
    pl.kernel,
    mesh=plsc.VectorSubcoreMesh(core_axis_name="c", subcore_axis_name="s"),
    out_type=jax.ShapeDtypeStruct((_TOTAL, _D), jnp.float32),
    scratch_types=[
        pltpu.VMEM((_ROWS_W,), jnp.int32),
        pltpu.VMEM((_CHUNK,), jnp.int32),
        pltpu.VMEM((_CHUNK, _D), jnp.float32),
        pltpu.VMEM((_CHUNK, _D), jnp.float32),
        pltpu.SemaphoreType.DMA,
        pltpu.SemaphoreType.DMA,
        pltpu.SemaphoreType.DMA,
        pltpu.SemaphoreType.DMA,
    ],
)
def _sc_gather(*refs):
    _gather_body(*refs)


def _row_indices():
    noise = jax.random.normal(jax.random.key(1), (_B, _L), dtype=jnp.float32)
    keep = jnp.argsort(noise, axis=-1)[:, :_K].astype(jnp.int32)
    rows = jnp.concatenate(
        [jnp.zeros((_B, 1), jnp.int32), keep + 1], axis=1
    )
    gidx = rows.T * _B + jnp.arange(_B, dtype=jnp.int32)[None, :]
    return gidx.reshape(_TOTAL)


def kernel(x):
    table = x.transpose(1, 0, 2).reshape(_S * _B, _D)
    out_flat = _sc_gather(table, _row_indices())
    return out_flat.reshape(_OUT_S, _B, _D).transpose(1, 0, 2)

# --- scband reference (transcript-rebuilt; emitter-appended) ---
"""Pipeline reference for scband-patch-dropout-19464791785502 (READ-ONLY COPY).

The authoritative reference and input builder live on the scoring server;
editing this copy changes nothing except your own understanding.
"""

import jax, jax.numpy as jnp
import numpy as np

PROB = 0.5
NUM_PREFIX_TOKENS = 1


def setup_inputs(seed: int = 0) -> dict:
    key = jax.random.key(seed)
    x = jax.random.normal(key, (64, 1025, 768), dtype=jnp.float32)
    return {"x": x}


def reference(x):
    # PatchDropout forward, strategy='random', ordered=False, return_indices=False
    prefix_tokens = x[:, :NUM_PREFIX_TOKENS]
    tokens = x[:, NUM_PREFIX_TOKENS:]
    B = tokens.shape[0]
    L = tokens.shape[1]
    num_keep = max(1, int(L * (1.0 - PROB)))
    # torch.randn(B, L) -> argsort -> take first num_keep (uniform random subset)
    noise = jax.random.normal(jax.random.key(1), (B, L), dtype=jnp.float32)
    keep_indices = jnp.argsort(noise, axis=-1)[:, :num_keep]
    # gather kept tokens along the sequence dimension
    gathered = jnp.take_along_axis(
        tokens, keep_indices[:, :, None], axis=1
    )
    out = jnp.concatenate([prefix_tokens, gathered], axis=1)
    return out

if __name__ == "__main__":
    import jax
    _d = setup_inputs()
    print(jax.jit(kernel)(*tuple(_d.values())))

</pallas_src>

<mosaic_0001>
#map = affine_map<(d0, d1) -> (0, 0)>
#map1 = affine_map<(d0, d1) -> (0)>
module attributes {stable_mosaic.version = 14 : i64} {
  func.func @_sc_gather(%arg0: i32, %arg1: i32, %arg2: memref<65600x768xf32, #tpu.memory_space<hbm>>, %arg3: memref<32832xi32, #tpu.memory_space<hbm>>, %arg4: memref<32832x768xf32, #tpu.memory_space<hbm>>, %arg5: memref<1024xi32, #tpu.memory_space<vmem>>, %arg6: memref<64xi32, #tpu.memory_space<vmem>>, %arg7: memref<64x768xf32, #tpu.memory_space<vmem>>, %arg8: memref<64x768xf32, #tpu.memory_space<vmem>>, %arg9: memref<!tpu.dma_semaphore, #tpu.memory_space<semaphore_mem>>, %arg10: memref<!tpu.dma_semaphore, #tpu.memory_space<semaphore_mem>>, %arg11: memref<!tpu.dma_semaphore, #tpu.memory_space<semaphore_mem>>, %arg12: memref<!tpu.dma_semaphore, #tpu.memory_space<semaphore_mem>>) attributes {dimension_semantics = [#tpu.dimension_semantics<core_parallel>, #tpu.dimension_semantics<subcore_parallel>], iteration_bounds = array<i64: 2, 16>, scalar_prefetch = 0 : i64, scratch_operands = 8 : i64, tpu.core_type = #tpu.core_type<sc_vector_subcore>, window_params = [{transform_indices = #map}, {transform_indices = #map1}, {transform_indices = #map}]} {
    %mul3A = arith.constant 2 : i32
    %mul3A_0 = arith.muli %arg1, %mul3A : i32
    %add3A = arith.addi %mul3A_0, %arg0 : i32
    %mul3A_1 = arith.constant 1024 : i32
    %mul3A_2 = arith.muli %add3A, %mul3A_1 : i32
    "tpu.region"() ({
      %run_scoped3A = tpu.sem_alloc : memref<!tpu.dma_semaphore, #tpu.memory_space<semaphore_mem>>
      %dma_start3A_323 = tpu.memref_slice %arg3[%mul3A_2] : memref<32832xi32, #tpu.memory_space<hbm>> -> memref<1024xi32, #tpu.memory_space<hbm>>
      %dma_start3A_324 = tpu.memref_slice %arg3[%mul3A_2] : memref<32832xi32, #tpu.memory_space<hbm>> -> memref<1024xi32, #tpu.memory_space<hbm>>
      tpu.enqueue_dma source(%dma_start3A_324 : memref<1024xi32, #tpu.memory_space<hbm>>) target(%arg5 : memref<1024xi32, #tpu.memory_space<vmem>>) target_semaphore(%run_scoped3A : memref<!tpu.dma_semaphore, #tpu.memory_space<semaphore_mem>>)
      %dma_wait3A_325 = tpu.memref_slice %arg3[%mul3A_2] : memref<32832xi32, #tpu.memory_space<hbm>> -> memref<1024xi32, #tpu.memory_space<hbm>>
      %dma_wait3A_326 = tpu.memref_slice %arg3[%mul3A_2] : memref<32832xi32, #tpu.memory_space<hbm>> -> memref<1024xi32, #tpu.memory_space<hbm>>
      tpu.wait_dma2 semaphore(%run_scoped3A : memref<!tpu.dma_semaphore, #tpu.memory_space<semaphore_mem>>) src(%dma_wait3A_326 : memref<1024xi32, #tpu.memory_space<hbm>>) dst(%arg5 : memref<1024xi32, #tpu.memory_space<vmem>>)
      tpu.yield
    }) : () -> ()
    %dma_start3A = arith.constant 0 : i32
    %dma_start3A_3 = tpu.memref_slice %arg5[%dma_start3A] : memref<1024xi32, #tpu.memory_space<vmem>> -> memref<64xi32, #tpu.memory_space<vmem>>
    %dma_start3A_4 = arith.constant 0 : i32
    %dma_start3A_5 = arith.constant 0 : i32
    %dma_start3A_6 = tpu.memref_slice %arg2[%dma_start3A_4, %dma_start3A_5] : memref<65600x768xf32, #tpu.memory_space<hbm>> -> memref<65600x768xf32, #tpu.memory_space<hbm>>
    tpu.enqueue_indirect_dma source(%dma_start3A_6 : memref<65600x768xf32, #tpu.memory_space<hbm>>) target(%arg7 : memref<64x768xf32, #tpu.memory_space<vmem>>) offsets(%dma_start3A_3 : memref<64xi32, #tpu.memory_space<vmem>>) semaphore(%arg9 : memref<!tpu.dma_semaphore, #tpu.memory_space<semaphore_mem>>)
    %dma_wait3A = arith.constant 0 : i32
    %dma_wait3A_7 = tpu.memref_slice %arg5[%dma_wait3A] : memref<1024xi32, #tpu.memory_space<vmem>> -> memref<64xi32, #tpu.memory_space<vmem>>
    %dma_wait3A_8 = arith.constant 0 : i32
    %dma_wait3A_9 = arith.constant 0 : i32
    %dma_wait3A_10 = tpu.memref_slice %arg2[%dma_wait3A_8, %dma_wait3A_9] : memref<65600x768xf32, #tpu.memory_space<hbm>> -> memref<65600x768xf32, #tpu.memory_space<hbm>>
    tpu.wait_indirect_dma semaphore(%arg9 : memref<!tpu.dma_semaphore, #tpu.memory_space<semaphore_mem>>) src(%dma_wait3A_10 : memref<65600x768xf32, #tpu.memory_space<hbm>>) dst(%arg7 : memref<64x768xf32, #tpu.memory_space<vmem>>)
    %add3A_11 = arith.constant 0 : i32
    %add3A_12 = arith.addi %mul3A_2, %add3A_11 : i32
    %dma_start3A_13 = arith.constant 0 : i32
    %dma_start3A_14 = tpu.memref_slice %arg4[%add3A_12, %dma_start3A_13] : memref<32832x768xf32, #tpu.memory_space<hbm>> -> memref<64x768xf32, #tpu.memory_space<hbm>>
    %dma_start3A_15 = arith.constant 0 : i32
    %dma_start3A_16 = tpu.memref_slice %arg4[%add3A_12, %dma_start3A_15] : memref<32832x768xf32, #tpu.memory_space<hbm>> -> memref<64x768xf32, #tpu.memory_space<hbm>>
    tpu.enqueue_dma source(%arg7 : memref<64x768xf32, #tpu.memory_space<vmem>>) target(%dma_start3A_16 : memref<64x768xf32, #tpu.memory_space<hbm>>) target_semaphore(%arg11 : memref<!tpu.dma_semaphore, #tpu.memory_space<semaphore_mem>>)
    %dma_start3A_17 = arith.constant 64 : i32
    %dma_start3A_18 = tpu.memref_slice %arg5[%dma_start3A_17] : memref<1024xi32, #tpu.memory_space<vmem>> -> memref<64xi32, #tpu.memory_space<vmem>>
    %dma_start3A_19 = arith.constant 0 : i32
    %dma_start3A_20 = arith.constant 0 : i32
    %dma_start3A_21 = tpu.memref_slice %arg2[%dma_start3A_19, %dma_start3A_20] : memref<65600x768xf32, #tpu.memory_space<hbm>> -> memref<65600x768xf32, #tpu.memory_space<hbm>>
    tpu.enqueue_indirect_dma source(%dma_start3A_21 : memref<65600x768xf32, #tpu.memory_space<hbm>>) target(%arg8 : memref<64x768xf32, #tpu.memory_space<vmem>>) offsets(%dma_start3A_18 : memref<64xi32, #tpu.memory_space<vmem>>) semaphore(%arg10 : memref<!tpu.dma_semaphore, #tpu.memory_space<semaphore_mem>>)
    %dma_wait3A_22 = arith.constant 64 : i32
    %dma_wait3A_23 = tpu.memref_slice %arg5[%dma_wait3A_22] : memref<1024xi32, #tpu.memory_space<vmem>> -> memref<64xi32, #tpu.memory_space<vmem>>
    %dma_wait3A_24 = arith.constant 0 : i32
    %dma_wait3A_25 = arith.constant 0 : i32
    %dma_wait3A_26 = tpu.memref_slice %arg2[%dma_wait3A_24, %dma_wait3A_25] : memref<65600x768xf32, #tpu.memory_space<hbm>> -> memref<65600x768xf32, #tpu.memory_space<hbm>>
    tpu.wait_indirect_dma semaphore(%arg10 : memref<!tpu.dma_semaphore, #tpu.memory_space<semaphore_mem>>) src(%dma_wait3A_26 : memref<65600x768xf32, #tpu.memory_space<hbm>>) dst(%arg8 : memref<64x768xf32, #tpu.memory_space<vmem>>)
    %add3A_27 = arith.constant 64 : i32
    %add3A_28 = arith.addi %mul3A_2, %add3A_27 : i32
    %dma_start3A_29 = arith.constant 0 : i32
    %dma_start3A_30 = tpu.memref_slice %arg4[%add3A_28, %dma_start3A_29] : memref<32832x768xf32, #tpu.memory_space<hbm>> -> memref<64x768xf32, #tpu.memory_space<hbm>>
    %dma_start3A_31 = arith.constant 0 : i32
    %dma_start3A_32 = tpu.memref_slice %arg4[%add3A_28, %dma_start3A_31] : memref<32832x768xf32, #tpu.memory_space<hbm>> -> memref<64x768xf32, #tpu.memory_space<hbm>>
    tpu.enqueue_dma source(%arg8 : memref<64x768xf32, #tpu.memory_space<vmem>>) target(%dma_start3A_32 : memref<64x768xf32, #tpu.memory_space<hbm>>) target_semaphore(%arg12 : memref<!tpu.dma_semaphore, #tpu.memory_space<semaphore_mem>>)
    %dma_wait3A_33 = arith.constant 0 : i32
    %dma_wait3A_34 = tpu.memref_slice %arg4[%add3A_12, %dma_wait3A_33] : memref<32832x768xf32, #tpu.memory_space<hbm>> -> memref<64x768xf32, #tpu.memory_space<hbm>>
    %dma_wait3A_35 = arith.constant 0 : i32
    %dma_wait3A_36 = tpu.memref_slice %arg4[%add3A_12, %dma_wait3A_35] : memref<32832x768xf32, #tpu.memory_space<hbm>> -> memref<64x768xf32, #tpu.memory_space<hbm>>
    tpu.wait_dma2 semaphore(%arg11 : memref<!tpu.dma_semaphore, #tpu.memory_space<semaphore_mem>>) src(%arg7 : memref<64x768xf32, #tpu.memory_space<vmem>>) dst(%dma_wait3A_36 : memref<64x768xf32, #tpu.memory_space<hbm>>)
    %dma_start3A_37 = arith.constant 128 : i32
    %dma_start3A_38 = tpu.memref_slice %arg5[%dma_start3A_37] : memref<1024xi32, #tpu.memory_space<vmem>> -> memref<64xi32, #tpu.memory_space<vmem>>
    %dma_start3A_39 = arith.constant 0 : i32
    %dma_start3A_40 = arith.constant 0 : i32
    %dma_start3A_41 = tpu.memref_slice %arg2[%dma_start3A_39, %dma_start3A_40] : memref<65600x768xf32, #tpu.memory_space<hbm>> -> memref<65600x768xf32, #tpu.memory_space<hbm>>
    tpu.enqueue_indirect_dma source(%dma_start3A_41 : memref<65600x768xf32, #tpu.memory_space<hbm>>) target(%arg7 : memref<64x768xf32, #tpu.memory_space<vmem>>) offsets(%dma_start3A_38 : memref<64xi32, #tpu.memory_space<vmem>>) semaphore(%arg9 : memref<!tpu.dma_semaphore, #tpu.memory_space<semaphore_mem>>)
    %dma_wait3A_42 = arith.constant 128 : i32
    %dma_wait3A_43 = tpu.memref_slice %arg5[%dma_wait3A_42] : memref<1024xi32, #tpu.memory_space<vmem>> -> memref<64xi32, #tpu.memory_space<vmem>>
    %dma_wait3A_44 = arith.constant 0 : i32
    %dma_wait3A_45 = arith.constant 0 : i32
    %dma_wait3A_46 = tpu.memref_slice %arg2[%dma_wait3A_44, %dma_wait3A_45] : memref<65600x768xf32, #tpu.memory_space<hbm>> -> memref<65600x768xf32, #tpu.memory_space<hbm>>
    tpu.wait_indirect_dma semaphore(%arg9 : memref<!tpu.dma_semaphore, #tpu.memory_space<semaphore_mem>>) src(%dma_wait3A_46 : memref<65600x768xf32, #tpu.memory_space<hbm>>) dst(%arg7 : memref<64x768xf32, #tpu.memory_space<vmem>>)
    %add3A_47 = arith.constant 128 : i32
    %add3A_48 = arith.addi %mul3A_2, %add3A_47 : i32
    %dma_start3A_49 = arith.constant 0 : i32
    %dma_start3A_50 = tpu.memref_slice %arg4[%add3A_48, %dma_start3A_49] : memref<32832x768xf32, #tpu.memory_space<hbm>> -> memref<64x768xf32, #tpu.memory_space<hbm>>
    %dma_start3A_51 = arith.constant 0 : i32
    %dma_start3A_52 = tpu.memref_slice %arg4[%add3A_48, %dma_start3A_51] : memref<32832x768xf32, #tpu.memory_space<hbm>> -> memref<64x768xf32, #tpu.memory_space<hbm>>
    tpu.enqueue_dma source(%arg7 : memref<64x768xf32, #tpu.memory_space<vmem>>) target(%dma_start3A_52 : memref<64x768xf32, #tpu.memory_space<hbm>>) target_semaphore(%arg11 : memref<!tpu.dma_semaphore, #tpu.memory_space<semaphore_mem>>)
    %dma_wait3A_53 = arith.constant 0 : i32
    %dma_wait3A_54 = tpu.memref_slice %arg4[%add3A_28, %dma_wait3A_53] : memref<32832x768xf32, #tpu.memory_space<hbm>> -> memref<64x768xf32, #tpu.memory_space<hbm>>
    %dma_wait3A_55 = arith.constant 0 : i32
    %dma_wait3A_56 = tpu.memref_slice %arg4[%add3A_28, %dma_wait3A_55] : memref<32832x768xf32, #tpu.memory_space<hbm>> -> memref<64x768xf32, #tpu.memory_space<hbm>>
    tpu.wait_dma2 semaphore(%arg12 : memref<!tpu.dma_semaphore, #tpu.memory_space<semaphore_mem>>) src(%arg8 : memref<64x768xf32, #tpu.memory_space<vmem>>) dst(%dma_wait3A_56 : memref<64x768xf32, #tpu.memory_space<hbm>>)
    %dma_start3A_57 = arith.constant 192 : i32
    %dma_start3A_58 = tpu.memref_slice %arg5[%dma_start3A_57] : memref<1024xi32, #tpu.memory_space<vmem>> -> memref<64xi32, #tpu.memory_space<vmem>>
    %dma_start3A_59 = arith.constant 0 : i32
    %dma_start3A_60 = arith.constant 0 : i32
    %dma_start3A_61 = tpu.memref_slice %arg2[%dma_start3A_59, %dma_start3A_60] : memref<65600x768xf32, #tpu.memory_space<hbm>> -> memref<65600x768xf32, #tpu.memory_space<hbm>>
    tpu.enqueue_indirect_dma source(%dma_start3A_61 : memref<65600x768xf32, #tpu.memory_space<hbm>>) target(%arg8 : memref<64x768xf32, #tpu.memory_space<vmem>>) offsets(%dma_start3A_58 : memref<64xi32, #tpu.memory_space<vmem>>) semaphore(%arg10 : memref<!tpu.dma_semaphore, #tpu.memory_space<semaphore_mem>>)
    %dma_wait3A_62 = arith.constant 192 : i32
    %dma_wait3A_63 = tpu.memref_slice %arg5[%dma_wait3A_62] : memref<1024xi32, #tpu.memory_space<vmem>> -> memref<64xi32, #tpu.memory_space<vmem>>
    %dma_wait3A_64 = arith.constant 0 : i32
    %dma_wait3A_65 = arith.constant 0 : i32
    %dma_wait3A_66 = tpu.memref_slice %arg2[%dma_wait3A_64, %dma_wait3A_65] : memref<65600x768xf32, #tpu.memory_space<hbm>> -> memref<65600x768xf32, #tpu.memory_space<hbm>>
    tpu.wait_indirect_dma semaphore(%arg10 : memref<!tpu.dma_semaphore, #tpu.memory_space<semaphore_mem>>) src(%dma_wait3A_66 : memref<65600x768xf32, #tpu.memory_space<hbm>>) dst(%arg8 : memref<64x768xf32, #tpu.memory_space<vmem>>)
    %add3A_67 = arith.constant 192 : i32
    %add3A_68 = arith.addi %mul3A_2, %add3A_67 : i32
    %dma_start3A_69 = arith.constant 0 : i32
    %dma_start3A_70 = tpu.memref_slice %arg4[%add3A_68, %dma_start3A_69] : memref<32832x768xf32, #tpu.memory_space<hbm>> -> memref<64x768xf32, #tpu.memory_space<hbm>>
    %dma_start3A_71 = arith.constant 0 : i32
    %dma_start3A_72 = tpu.memref_slice %arg4[%add3A_68, %dma_start3A_71] : memref<32832x768xf32, #tpu.memory_space<hbm>> -> memref<64x768xf32, #tpu.memory_space<hbm>>
    tpu.enqueue_dma source(%arg8 : memref<64x768xf32, #tpu.memory_space<vmem>>) target(%dma_start3A_72 : memref<64x768xf32, #tpu.memory_space<hbm>>) target_semaphore(%arg12 : memref<!tpu.dma_semaphore, #tpu.memory_space<semaphore_mem>>)
    %dma_wait3A_73 = arith.constant 0 : i32
    %dma_wait3A_74 = tpu.memref_slice %arg4[%add3A_48, %dma_wait3A_73] : memref<32832x768xf32, #tpu.memory_space<hbm>> -> memref<64x768xf32, #tpu.memory_space<hbm>>
    %dma_wait3A_75 = arith.constant 0 : i32
    %dma_wait3A_76 = tpu.memref_slice %arg4[%add3A_48, %dma_wait3A_75] : memref<32832x768xf32, #tpu.memory_space<hbm>> -> memref<64x768xf32, #tpu.memory_space<hbm>>
    tpu.wait_dma2 semaphore(%arg11 : memref<!tpu.dma_semaphore, #tpu.memory_space<semaphore_mem>>) src(%arg7 : memref<64x768xf32, #tpu.memory_space<vmem>>) dst(%dma_wait3A_76 : memref<64x768xf32, #tpu.memory_space<hbm>>)
    %dma_start3A_77 = arith.constant 256 : i32
    %dma_start3A_78 = tpu.memref_slice %arg5[%dma_start3A_77] : memref<1024xi32, #tpu.memory_space<vmem>> -> memref<64xi32, #tpu.memory_space<vmem>>
    %dma_start3A_79 = arith.constant 0 : i32
    %dma_start3A_80 = arith.constant 0 : i32
    %dma_start3A_81 = tpu.memref_slice %arg2[%dma_start3A_79, %dma_start3A_80] : memref<65600x768xf32, #tpu.memory_space<hbm>> -> memref<65600x768xf32, #tpu.memory_space<hbm>>
    tpu.enqueue_indirect_dma source(%dma_start3A_81 : memref<65600x768xf32, #tpu.memory_space<hbm>>) target(%arg7 : memref<64x768xf32, #tpu.memory_space<vmem>>) offsets(%dma_start3A_78 : memref<64xi32, #tpu.memory_space<vmem>>) semaphore(%arg9 : memref<!tpu.dma_semaphore, #tpu.memory_space<semaphore_mem>>)
    %dma_wait3A_82 = arith.constant 256 : i32
    %dma_wait3A_83 = tpu.memref_slice %arg5[%dma_wait3A_82] : memref<1024xi32, #tpu.memory_space<vmem>> -> memref<64xi32, #tpu.memory_space<vmem>>
    %dma_wait3A_84 = arith.constant 0 : i32
    %dma_wait3A_85 = arith.constant 0 : i32
    %dma_wait3A_86 = tpu.memref_slice %arg2[%dma_wait3A_84, %dma_wait3A_85] : memref<65600x768xf32, #tpu.memory_space<hbm>> -> memref<65600x768xf32, #tpu.memory_space<hbm>>
    tpu.wait_indirect_dma semaphore(%arg9 : memref<!tpu.dma_semaphore, #tpu.memory_space<semaphore_mem>>) src(%dma_wait3A_86 : memref<65600x768xf32, #tpu.memory_space<hbm>>) dst(%arg7 : memref<64x768xf32, #tpu.memory_space<vmem>>)
    %add3A_87 = arith.constant 256 : i32
    %add3A_88 = arith.addi %mul3A_2, %add3A_87 : i32
    %dma_start3A_89 = arith.constant 0 : i32
    %dma_start3A_90 = tpu.memref_slice %arg4[%add3A_88, %dma_start3A_89] : memref<32832x768xf32, #tpu.memory_space<hbm>> -> memref<64x768xf32, #tpu.memory_space<hbm>>
    %dma_start3A_91 = arith.constant 0 : i32
    %dma_start3A_92 = tpu.memref_slice %arg4[%add3A_88, %dma_start3A_91] : memref<32832x768xf32, #tpu.memory_space<hbm>> -> memref<64x768xf32, #tpu.memory_space<hbm>>
    tpu.enqueue_dma source(%arg7 : memref<64x768xf32, #tpu.memory_space<vmem>>) target(%dma_start3A_92 : memref<64x768xf32, #tpu.memory_space<hbm>>) target_semaphore(%arg11 : memref<!tpu.dma_semaphore, #tpu.memory_space<semaphore_mem>>)
    %dma_wait3A_93 = arith.constant 0 : i32
    %dma_wait3A_94 = tpu.memref_slice %arg4[%add3A_68, %dma_wait3A_93] : memref<32832x768xf32, #tpu.memory_space<hbm>> -> memref<64x768xf32, #tpu.memory_space<hbm>>
    %dma_wait3A_95 = arith.constant 0 : i32
    %dma_wait3A_96 = tpu.memref_slice %arg4[%add3A_68, %dma_wait3A_95] : memref<32832x768xf32, #tpu.memory_space<hbm>> -> memref<64x768xf32, #tpu.memory_space<hbm>>
    tpu.wait_dma2 semaphore(%arg12 : memref<!tpu.dma_semaphore, #tpu.memory_space<semaphore_mem>>) src(%arg8 : memref<64x768xf32, #tpu.memory_space<vmem>>) dst(%dma_wait3A_96 : memref<64x768xf32, #tpu.memory_space<hbm>>)
    %dma_start3A_97 = arith.constant 320 : i32
    %dma_start3A_98 = tpu.memref_slice %arg5[%dma_start3A_97] : memref<1024xi32, #tpu.memory_space<vmem>> -> memref<64xi32, #tpu.memory_space<vmem>>
    %dma_start3A_99 = arith.constant 0 : i32
    %dma_start3A_100 = arith.constant 0 : i32
    %dma_start3A_101 = tpu.memref_slice %arg2[%dma_start3A_99, %dma_start3A_100] : memref<65600x768xf32, #tpu.memory_space<hbm>> -> memref<65600x768xf32, #tpu.memory_space<hbm>>
    tpu.enqueue_indirect_dma source(%dma_start3A_101 : memref<65600x768xf32, #tpu.memory_space<hbm>>) target(%arg8 : memref<64x768xf32, #tpu.memory_space<vmem>>) offsets(%dma_start3A_98 : memref<64xi32, #tpu.memory_space<vmem>>) semaphore(%arg10 : memref<!tpu.dma_semaphore, #tpu.memory_space<semaphore_mem>>)
    %dma_wait3A_102 = arith.constant 320 : i32
    %dma_wait3A_103 = tpu.memref_slice %arg5[%dma_wait3A_102] : memref<1024xi32, #tpu.memory_space<vmem>> -> memref<64xi32, #tpu.memory_space<vmem>>
    %dma_wait3A_104 = arith.constant 0 : i32
    %dma_wait3A_105 = arith.constant 0 : i32
    %dma_wait3A_106 = tpu.memref_slice %arg2[%dma_wait3A_104, %dma_wait3A_105] : memref<65600x768xf32, #tpu.memory_space<hbm>> -> memref<65600x768xf32, #tpu.memory_space<hbm>>
    tpu.wait_indirect_dma semaphore(%arg10 : memref<!tpu.dma_semaphore, #tpu.memory_space<semaphore_mem>>) src(%dma_wait3A_106 : memref<65600x768xf32, #tpu.memory_space<hbm>>) dst(%arg8 : memref<64x768xf32, #tpu.memory_space<vmem>>)
    %add3A_107 = arith.constant 320 : i32
    %add3A_108 = arith.addi %mul3A_2, %add3A_107 : i32
    %dma_start3A_109 = arith.constant 0 : i32
    %dma_start3A_110 = tpu.memref_slice %arg4[%add3A_108, %dma_start3A_109] : memref<32832x768xf32, #tpu.memory_space<hbm>> -> memref<64x768xf32, #tpu.memory_space<hbm>>
    %dma_start3A_111 = arith.constant 0 : i32
    %dma_start3A_112 = tpu.memref_slice %arg4[%add3A_108, %dma_start3A_111] : memref<32832x768xf32, #tpu.memory_space<hbm>> -> memref<64x768xf32, #tpu.memory_space<hbm>>
    tpu.enqueue_dma source(%arg8 : memref<64x768xf32, #tpu.memory_space<vmem>>) target(%dma_start3A_112 : memref<64x768xf32, #tpu.memory_space<hbm>>) target_semaphore(%arg12 : memref<!tpu.dma_semaphore, #tpu.memory_space<semaphore_mem>>)
    %dma_wait3A_113 = arith.constant 0 : i32
    %dma_wait3A_114 = tpu.memref_slice %arg4[%add3A_88, %dma_wait3A_113] : memref<32832x768xf32, #tpu.memory_space<hbm>> -> memref<64x768xf32, #tpu.memory_space<hbm>>
    %dma_wait3A_115 = arith.constant 0 : i32
    %dma_wait3A_116 = tpu.memref_slice %arg4[%add3A_88, %dma_wait3A_115] : memref<32832x768xf32, #tpu.memory_space<hbm>> -> memref<64x768xf32, #tpu.memory_space<hbm>>
    tpu.wait_dma2 semaphore(%arg11 : memref<!tpu.dma_semaphore, #tpu.memory_space<semaphore_mem>>) src(%arg7 : memref<64x768xf32, #tpu.memory_space<vmem>>) dst(%dma_wait3A_116 : memref<64x768xf32, #tpu.memory_space<hbm>>)
    %dma_start3A_117 = arith.constant 384 : i32
    %dma_start3A_118 = tpu.memref_slice %arg5[%dma_start3A_117] : memref<1024xi32, #tpu.memory_space<vmem>> -> memref<64xi32, #tpu.memory_space<vmem>>
    %dma_start3A_119 = arith.constant 0 : i32
    %dma_start3A_120 = arith.constant 0 : i32
    %dma_start3A_121 = tpu.memref_slice %arg2[%dma_start3A_119, %dma_start3A_120] : memref<65600x768xf32, #tpu.memory_space<hbm>> -> memref<65600x768xf32, #tpu.memory_space<hbm>>
    tpu.enqueue_indirect_dma source(%dma_start3A_121 : memref<65600x768xf32, #tpu.memory_space<hbm>>) target(%arg7 : memref<64x768xf32, #tpu.memory_space<vmem>>) offsets(%dma_start3A_118 : memref<64xi32, #tpu.memory_space<vmem>>) semaphore(%arg9 : memref<!tpu.dma_semaphore, #tpu.memory_space<semaphore_mem>>)
    %dma_wait3A_122 = arith.constant 384 : i32
    %dma_wait3A_123 = tpu.memref_slice %arg5[%dma_wait3A_122] : memref<1024xi32, #tpu.memory_space<vmem>> -> memref<64xi32, #tpu.memory_space<vmem>>
    %dma_wait3A_124 = arith.constant 0 : i32
    %dma_wait3A_125 = arith.constant 0 : i32
    %dma_wait3A_126 = tpu.memref_slice %arg2[%dma_wait3A_124, %dma_wait3A_125] : memref<65600x768xf32, #tpu.memory_space<hbm>> -> memref<65600x768xf32, #tpu.memory_space<hbm>>
    tpu.wait_indirect_dma semaphore(%arg9 : memref<!tpu.dma_semaphore, #tpu.memory_space<semaphore_mem>>) src(%dma_wait3A_126 : memref<65600x768xf32, #tpu.memory_space<hbm>>) dst(%arg7 : memref<64x768xf32, #tpu.memory_space<vmem>>)
    %add3A_127 = arith.constant 384 : i32
    %add3A_128 = arith.addi %mul3A_2, %add3A_127 : i32
    %dma_start3A_129 = arith.constant 0 : i32
    %dma_start3A_130 = tpu.memref_slice %arg4[%add3A_128, %dma_start3A_129] : memref<32832x768xf32, #tpu.memory_space<hbm>> -> memref<64x768xf32, #tpu.memory_space<hbm>>
    %dma_start3A_131 = arith.constant 0 : i32
    %dma_start3A_132 = tpu.memref_slice %arg4[%add3A_128, %dma_start3A_131] : memref<32832x768xf32, #tpu.memory_space<hbm>> -> memref<64x768xf32, #tpu.memory_space<hbm>>
    tpu.enqueue_dma source(%arg7 : memref<64x768xf32, #tpu.memory_space<vmem>>) target(%dma_start3A_132 : memref<64x768xf32, #tpu.memory_space<hbm>>) target_semaphore(%arg11 : memref<!tpu.dma_semaphore, #tpu.memory_space<semaphore_mem>>)
    %dma_wait3A_133 = arith.constant 0 : i32
    %dma_wait3A_134 = tpu.memref_slice %arg4[%add3A_108, %dma_wait3A_133] : memref<32832x768xf32, #tpu.memory_space<hbm>> -> memref<64x768xf32, #tpu.memory_space<hbm>>
    %dma_wait3A_135 = arith.constant 0 : i32
    %dma_wait3A_136 = tpu.memref_slice %arg4[%add3A_108, %dma_wait3A_135] : memref<32832x768xf32, #tpu.memory_space<hbm>> -> memref<64x768xf32, #tpu.memory_space<hbm>>
    tpu.wait_dma2 semaphore(%arg12 : memref<!tpu.dma_semaphore, #tpu.memory_space<semaphore_mem>>) src(%arg8 : memref<64x768xf32, #tpu.memory_space<vmem>>) dst(%dma_wait3A_136 : memref<64x768xf32, #tpu.memory_space<hbm>>)
    %dma_start3A_137 = arith.constant 448 : i32
    %dma_start3A_138 = tpu.memref_slice %arg5[%dma_start3A_137] : memref<1024xi32, #tpu.memory_space<vmem>> -> memref<64xi32, #tpu.memory_space<vmem>>
    %dma_start3A_139 = arith.constant 0 : i32
    %dma_start3A_140 = arith.constant 0 : i32
    %dma_start3A_141 = tpu.memref_slice %arg2[%dma_start3A_139, %dma_start3A_140] : memref<65600x768xf32, #tpu.memory_space<hbm>> -> memref<65600x768xf32, #tpu.memory_space<hbm>>
    tpu.enqueue_indirect_dma source(%dma_start3A_141 : memref<65600x768xf32, #tpu.memory_space<hbm>>) target(%arg8 : memref<64x768xf32, #tpu.memory_space<vmem>>) offsets(%dma_start3A_138 : memref<64xi32, #tpu.memory_space<vmem>>) semaphore(%arg10 : memref<!tpu.dma_semaphore, #tpu.memory_space<semaphore_mem>>)
    %dma_wait3A_142 = arith.constant 448 : i32
    %dma_wait3A_143 = tpu.memref_slice %arg5[%dma_wait3A_142] : memref<1024xi32, #tpu.memory_space<vmem>> -> memref<64xi32, #tpu.memory_space<vmem>>
    %dma_wait3A_144 = arith.constant 0 : i32
    %dma_wait3A_145 = arith.constant 0 : i32
    %dma_wait3A_146 = tpu.memref_slice %arg2[%dma_wait3A_144, %dma_wait3A_145] : memref<65600x768xf32, #tpu.memory_space<hbm>> -> memref<65600x768xf32, #tpu.memory_space<hbm>>
    tpu.wait_indirect_dma semaphore(%arg10 : memref<!tpu.dma_semaphore, #tpu.memory_space<semaphore_mem>>) src(%dma_wait3A_146 : memref<65600x768xf32, #tpu.memory_space<hbm>>) dst(%arg8 : memref<64x768xf32, #tpu.memory_space<vmem>>)
    %add3A_147 = arith.constant 448 : i32
    %add3A_148 = arith.addi %mul3A_2, %add3A_147 : i32
    %dma_start3A_149 = arith.constant 0 : i32
    %dma_start3A_150 = tpu.memref_slice %arg4[%add3A_148, %dma_start3A_149] : memref<32832x768xf32, #tpu.memory_space<hbm>> -> memref<64x768xf32, #tpu.memory_space<hbm>>
    %dma_start3A_151 = arith.constant 0 : i32
    %dma_start3A_152 = tpu.memref_slice %arg4[%add3A_148, %dma_start3A_151] : memref<32832x768xf32, #tpu.memory_space<hbm>> -> memref<64x768xf32, #tpu.memory_space<hbm>>
    tpu.enqueue_dma source(%arg8 : memref<64x768xf32, #tpu.memory_space<vmem>>) target(%dma_start3A_152 : memref<64x768xf32, #tpu.memory_space<hbm>>) target_semaphore(%arg12 : memref<!tpu.dma_semaphore, #tpu.memory_space<semaphore_mem>>)
    %dma_wait3A_153 = arith.constant 0 : i32
    %dma_wait3A_154 = tpu.memref_slice %arg4[%add3A_128, %dma_wait3A_153] : memref<32832x768xf32, #tpu.memory_space<hbm>> -> memref<64x768xf32, #tpu.memory_space<hbm>>
    %dma_wait3A_155 = arith.constant 0 : i32
    %dma_wait3A_156 = tpu.memref_slice %arg4[%add3A_128, %dma_wait3A_155] : memref<32832x768xf32, #tpu.memory_space<hbm>> -> memref<64x768xf32, #tpu.memory_space<hbm>>
    tpu.wait_dma2 semaphore(%arg11 : memref<!tpu.dma_semaphore, #tpu.memory_space<semaphore_mem>>) src(%arg7 : memref<64x768xf32, #tpu.memory_space<vmem>>) dst(%dma_wait3A_156 : memref<64x768xf32, #tpu.memory_space<hbm>>)
    %dma_start3A_157 = arith.constant 512 : i32
    %dma_start3A_158 = tpu.memref_slice %arg5[%dma_start3A_157] : memref<1024xi32, #tpu.memory_space<vmem>> -> memref<64xi32, #tpu.memory_space<vmem>>
    %dma_start3A_159 = arith.constant 0 : i32
    %dma_start3A_160 = arith.constant 0 : i32
    %dma_start3A_161 = tpu.memref_slice %arg2[%dma_start3A_159, %dma_start3A_160] : memref<65600x768xf32, #tpu.memory_space<hbm>> -> memref<65600x768xf32, #tpu.memory_space<hbm>>
    tpu.enqueue_indirect_dma source(%dma_start3A_161 : memref<65600x768xf32, #tpu.memory_space<hbm>>) target(%arg7 : memref<64x768xf32, #tpu.memory_space<vmem>>) offsets(%dma_start3A_158 : memref<64xi32, #tpu.memory_space<vmem>>) semaphore(%arg9 : memref<!tpu.dma_semaphore, #tpu.memory_space<semaphore_mem>>)
    %dma_wait3A_162 = arith.constant 512 : i32
    %dma_wait3A_163 = tpu.memref_slice %arg5[%dma_wait3A_162] : memref<1024xi32, #tpu.memory_space<vmem>> -> memref<64xi32, #tpu.memory_space<vmem>>
    %dma_wait3A_164 = arith.constant 0 : i32
    %dma_wait3A_165 = arith.constant 0 : i32
    %dma_wait3A_166 = tpu.memref_slice %arg2[%dma_wait3A_164, %dma_wait3A_165] : memref<65600x768xf32, #tpu.memory_space<hbm>> -> memref<65600x768xf32, #tpu.memory_space<hbm>>
    tpu.wait_indirect_dma semaphore(%arg9 : memref<!tpu.dma_semaphore, #tpu.memory_space<semaphore_mem>>) src(%dma_wait3A_166 : memref<65600x768xf32, #tpu.memory_space<hbm>>) dst(%arg7 : memref<64x768xf32, #tpu.memory_space<vmem>>)
    %add3A_167 = arith.constant 512 : i32
    %add3A_168 = arith.addi %mul3A_2, %add3A_167 : i32
    %dma_start3A_169 = arith.constant 0 : i32
    %dma_start3A_170 = tpu.memref_slice %arg4[%add3A_168, %dma_start3A_169] : memref<32832x768xf32, #tpu.memory_space<hbm>> -> memref<64x768xf32, #tpu.memory_space<hbm>>
    %dma_start3A_171 = arith.constant 0 : i32
    %dma_start3A_172 = tpu.memref_slice %arg4[%add3A_168, %dma_start3A_171] : memref<32832x768xf32, #tpu.memory_space<hbm>> -> memref<64x768xf32, #tpu.memory_space<hbm>>
    tpu.enqueue_dma source(%arg7 : memref<64x768xf32, #tpu.memory_space<vmem>>) target(%dma_start3A_172 : memref<64x768xf32, #tpu.memory_space<hbm>>) target_semaphore(%arg11 : memref<!tpu.dma_semaphore, #tpu.memory_space<semaphore_mem>>)
    %dma_wait3A_173 = arith.constant 0 : i32
    %dma_wait3A_174 = tpu.memref_slice %arg4[%add3A_148, %dma_wait3A_173] : memref<32832x768xf32, #tpu.memory_space<hbm>> -> memref<64x768xf32, #tpu.memory_space<hbm>>
    %dma_wait3A_175 = arith.constant 0 : i32
    %dma_wait3A_176 = tpu.memref_slice %arg4[%add3A_148, %dma_wait3A_175] : memref<32832x768xf32, #tpu.memory_space<hbm>> -> memref<64x768xf32, #tpu.memory_space<hbm>>
    tpu.wait_dma2 semaphore(%arg12 : memref<!tpu.dma_semaphore, #tpu.memory_space<semaphore_mem>>) src(%arg8 : memref<64x768xf32, #tpu.memory_space<vmem>>) dst(%dma_wait3A_176 : memref<64x768xf32, #tpu.memory_space<hbm>>)
    %dma_start3A_177 = arith.constant 576 : i32
    %dma_start3A_178 = tpu.memref_slice %arg5[%dma_start3A_177] : memref<1024xi32, #tpu.memory_space<vmem>> -> memref<64xi32, #tpu.memory_space<vmem>>
    %dma_start3A_179 = arith.constant 0 : i32
    %dma_start3A_180 = arith.constant 0 : i32
    %dma_start3A_181 = tpu.memref_slice %arg2[%dma_start3A_179, %dma_start3A_180] : memref<65600x768xf32, #tpu.memory_space<hbm>> -> memref<65600x768xf32, #tpu.memory_space<hbm>>
    tpu.enqueue_indirect_dma source(%dma_start3A_181 : memref<65600x768xf32, #tpu.memory_space<hbm>>) target(%arg8 : memref<64x768xf32, #tpu.memory_space<vmem>>) offsets(%dma_start3A_178 : memref<64xi32, #tpu.memory_space<vmem>>) semaphore(%arg10 : memref<!tpu.dma_semaphore, #tpu.memory_space<semaphore_mem>>)
    %dma_wait3A_182 = arith.constant 576 : i32
    %dma_wait3A_183 = tpu.memref_slice %arg5[%dma_wait3A_182] : memref<1024xi32, #tpu.memory_space<vmem>> -> memref<64xi32, #tpu.memory_space<vmem>>
    %dma_wait3A_184 = arith.constant 0 : i32
    %dma_wait3A_185 = arith.constant 0 : i32
    %dma_wait3A_186 = tpu.memref_slice %arg2[%dma_wait3A_184, %dma_wait3A_185] : memref<65600x768xf32, #tpu.memory_space<hbm>> -> memref<65600x768xf32, #tpu.memory_space<hbm>>
    tpu.wait_indirect_dma semaphore(%arg10 : memref<!tpu.dma_semaphore, #tpu.memory_space<semaphore_mem>>) src(%dma_wait3A_186 : memref<65600x768xf32, #tpu.memory_space<hbm>>) dst(%arg8 : memref<64x768xf32, #tpu.memory_space<vmem>>)
    %add3A_187 = arith.constant 576 : i32
    %add3A_188 = arith.addi %mul3A_2, %add3A_187 : i32
    %dma_start3A_189 = arith.constant 0 : i32
    %dma_start3A_190 = tpu.memref_slice %arg4[%add3A_188, %dma_start3A_189] : memref<32832x768xf32, #tpu.memory_space<hbm>> -> memref<64x768xf32, #tpu.memory_space<hbm>>
    %dma_start3A_191 = arith.constant 0 : i32
    %dma_start3A_192 = tpu.memref_slice %arg4[%add3A_188, %dma_start3A_191] : memref<32832x768xf32, #tpu.memory_space<hbm>> -> memref<64x768xf32, #tpu.memory_space<hbm>>
    tpu.enqueue_dma source(%arg8 : memref<64x768xf32, #tpu.memory_space<vmem>>) target(%dma_start3A_192 : memref<64x768xf32, #tpu.memory_space<hbm>>) target_semaphore(%arg12 : memref<!tpu.dma_semaphore, #tpu.memory_space<semaphore_mem>>)
    %dma_wait3A_193 = arith.constant 0 : i32
    %dma_wait3A_194 = tpu.memref_slice %arg4[%add3A_168, %dma_wait3A_193] : memref<32832x768xf32, #tpu.memory_space<hbm>> -> memref<64x768xf32, #tpu.memory_space<hbm>>
    %dma_wait3A_195 = arith.constant 0 : i32
    %dma_wait3A_196 = tpu.memref_slice %arg4[%add3A_168, %dma_wait3A_195] : memref<32832x768xf32, #tpu.memory_space<hbm>> -> memref<64x768xf32, #tpu.memory_space<hbm>>
    tpu.wait_dma2 semaphore(%arg11 : memref<!tpu.dma_semaphore, #tpu.memory_space<semaphore_mem>>) src(%arg7 : memref<64x768xf32, #tpu.memory_space<vmem>>) dst(%dma_wait3A_196 : memref<64x768xf32, #tpu.memory_space<hbm>>)
    %dma_start3A_197 = arith.constant 640 : i32
    %dma_start3A_198 = tpu.memref_slice %arg5[%dma_start3A_197] : memref<1024xi32, #tpu.memory_space<vmem>> -> memref<64xi32, #tpu.memory_space<vmem>>
    %dma_start3A_199 = arith.constant 0 : i32
    %dma_start3A_200 = arith.constant 0 : i32
    %dma_start3A_201 = tpu.memref_slice %arg2[%dma_start3A_199, %dma_start3A_200] : memref<65600x768xf32, #tpu.memory_space<hbm>> -> memref<65600x768xf32, #tpu.memory_space<hbm>>
    tpu.enqueue_indirect_dma source(%dma_start3A_201 : memref<65600x768xf32, #tpu.memory_space<hbm>>) target(%arg7 : memref<64x768xf32, #tpu.memory_space<vmem>>) offsets(%dma_start3A_198 : memref<64xi32, #tpu.memory_space<vmem>>) semaphore(%arg9 : memref<!tpu.dma_semaphore, #tpu.memory_space<semaphore_mem>>)
    %dma_wait3A_202 = arith.constant 640 : i32
    %dma_wait3A_203 = tpu.memref_slice %arg5[%dma_wait3A_202] : memref<1024xi32, #tpu.memory_space<vmem>> -> memref<64xi32, #tpu.memory_space<vmem>>
    %dma_wait3A_204 = arith.constant 0 : i32
    %dma_wait3A_205 = arith.constant 0 : i32
    %dma_wait3A_206 = tpu.memref_slice %arg2[%dma_wait3A_204, %dma_wait3A_205] : memref<65600x768xf32, #tpu.memory_space<hbm>> -> memref<65600x768xf32, #tpu.memory_space<hbm>>
    tpu.wait_indirect_dma semaphore(%arg9 : memref<!tpu.dma_semaphore, #tpu.memory_space<semaphore_mem>>) src(%dma_wait3A_206 : memref<65600x768xf32, #tpu.memory_space<hbm>>) dst(%arg7 : memref<64x768xf32, #tpu.memory_space<vmem>>)
    %add3A_207 = arith.constant 640 : i32
    %add3A_208 = arith.addi %mul3A_2, %add3A_207 : i32
    %dma_start3A_209 = arith.constant 0 : i32
    %dma_start3A_210 = tpu.memref_slice %arg4[%add3A_208, %dma_start3A_209] : memref<32832x768xf32, #tpu.memory_space<hbm>> -> memref<64x768xf32, #tpu.memory_space<hbm>>
    %dma_start3A_211 = arith.constant 0 : i32
    %dma_start3A_212 = tpu.memref_slice %arg4[%add3A_208, %dma_start3A_211] : memref<32832x768xf32, #tpu.memory_space<hbm>> -> memref<64x768xf32, #tpu.memory_space<hbm>>
    tpu.enqueue_dma source(%arg7 : memref<64x768xf32, #tpu.memory_space<vmem>>) target(%dma_start3A_212 : memref<64x768xf32, #tpu.memory_space<hbm>>) target_semaphore(%arg11 : memref<!tpu.dma_semaphore, #tpu.memory_space<semaphore_mem>>)
    %dma_wait3A_213 = arith.constant 0 : i32
    %dma_wait3A_214 = tpu.memref_slice %arg4[%add3A_188, %dma_wait3A_213] : memref<32832x768xf32, #tpu.memory_space<hbm>> -> memref<64x768xf32, #tpu.memory_space<hbm>>
    %dma_wait3A_215 = arith.constant 0 : i32
    %dma_wait3A_216 = tpu.memref_slice %arg4[%add3A_188, %dma_wait3A_215] : memref<32832x768xf32, #tpu.memory_space<hbm>> -> memref<64x768xf32, #tpu.memory_space<hbm>>
    tpu.wait_dma2 semaphore(%arg12 : memref<!tpu.dma_semaphore, #tpu.memory_space<semaphore_mem>>) src(%arg8 : memref<64x768xf32, #tpu.memory_space<vmem>>) dst(%dma_wait3A_216 : memref<64x768xf32, #tpu.memory_space<hbm>>)
    %dma_start3A_217 = arith.constant 704 : i32
    %dma_start3A_218 = tpu.memref_slice %arg5[%dma_start3A_217] : memref<1024xi32, #tpu.memory_space<vmem>> -> memref<64xi32, #tpu.memory_space<vmem>>
    %dma_start3A_219 = arith.constant 0 : i32
    %dma_start3A_220 = arith.constant 0 : i32
    %dma_start3A_221 = tpu.memref_slice %arg2[%dma_start3A_219, %dma_start3A_220] : memref<65600x768xf32, #tpu.memory_space<hbm>> -> memref<65600x768xf32, #tpu.memory_space<hbm>>
    tpu.enqueue_indirect_dma source(%dma_start3A_221 : memref<65600x768xf32, #tpu.memory_space<hbm>>) target(%arg8 : memref<64x768xf32, #tpu.memory_space<vmem>>) offsets(%dma_start3A_218 : memref<64xi32, #tpu.memory_space<vmem>>) semaphore(%arg10 : memref<!tpu.dma_semaphore, #tpu.memory_space<semaphore_mem>>)
    %dma_wait3A_222 = arith.constant 704 : i32
    %dma_wait3A_223 = tpu.memref_slice %arg5[%dma_wait3A_222] : memref<1024xi32, #tpu.memory_space<vmem>> -> memref<64xi32, #tpu.memory_space<vmem>>
    %dma_wait3A_224 = arith.constant 0 : i32
    %dma_wait3A_225 = arith.constant 0 : i32
    %dma_wait3A_226 = tpu.memref_slice %arg2[%dma_wait3A_224, %dma_wait3A_225] : memref<65600x768xf32, #tpu.memory_space<hbm>> -> memref<65600x768xf32, #tpu.memory_space<hbm>>
    tpu.wait_indirect_dma semaphore(%arg10 : memref<!tpu.dma_semaphore, #tpu.memory_space<semaphore_mem>>) src(%dma_wait3A_226 : memref<65600x768xf32, #tpu.memory_space<hbm>>) dst(%arg8 : memref<64x768xf32, #tpu.memory_space<vmem>>)
    %add3A_227 = arith.constant 704 : i32
    %add3A_228 = arith.addi %mul3A_2, %add3A_227 : i32
    %dma_start3A_229 = arith.constant 0 : i32
    %dma_start3A_230 = tpu.memref_slice %arg4[%add3A_228, %dma_start3A_229] : memref<32832x768xf32, #tpu.memory_space<hbm>> -> memref<64x768xf32, #tpu.memory_space<hbm>>
    %dma_start3A_231 = arith.constant 0 : i32
    %dma_start3A_232 = tpu.memref_slice %arg4[%add3A_228, %dma_start3A_231] : memref<32832x768xf32, #tpu.memory_space<hbm>> -> memref<64x768xf32, #tpu.memory_space<hbm>>
    tpu.enqueue_dma source(%arg8 : memref<64x768xf32, #tpu.memory_space<vmem>>) target(%dma_start3A_232 : memref<64x768xf32, #tpu.memory_space<hbm>>) target_semaphore(%arg12 : memref<!tpu.dma_semaphore, #tpu.memory_space<semaphore_mem>>)
    %dma_wait3A_233 = arith.constant 0 : i32
    %dma_wait3A_234 = tpu.memref_slice %arg4[%add3A_208, %dma_wait3A_233] : memref<32832x768xf32, #tpu.memory_space<hbm>> -> memref<64x768xf32, #tpu.memory_space<hbm>>
    %dma_wait3A_235 = arith.constant 0 : i32
    %dma_wait3A_236 = tpu.memref_slice %arg4[%add3A_208, %dma_wait3A_235] : memref<32832x768xf32, #tpu.memory_space<hbm>> -> memref<64x768xf32, #tpu.memory_space<hbm>>
    tpu.wait_dma2 semaphore(%arg11 : memref<!tpu.dma_semaphore, #tpu.memory_space<semaphore_mem>>) src(%arg7 : memref<64x768xf32, #tpu.memory_space<vmem>>) dst(%dma_wait3A_236 : memref<64x768xf32, #tpu.memory_space<hbm>>)
    %dma_start3A_237 = arith.constant 768 : i32
    %dma_start3A_238 = tpu.memref_slice %arg5[%dma_start3A_237] : memref<1024xi32, #tpu.memory_space<vmem>> -> memref<64xi32, #tpu.memory_space<vmem>>
    %dma_start3A_239 = arith.constant 0 : i32
    %dma_start3A_240 = arith.constant 0 : i32
    %dma_start3A_241 = tpu.memref_slice %arg2[%dma_start3A_239, %dma_start3A_240] : memref<65600x768xf32, #tpu.memory_space<hbm>> -> memref<65600x768xf32, #tpu.memory_space<hbm>>
    tpu.enqueue_indirect_dma source(%dma_start3A_241 : memref<65600x768xf32, #tpu.memory_space<hbm>>) target(%arg7 : memref<64x768xf32, #tpu.memory_space<vmem>>) offsets(%dma_start3A_238 : memref<64xi32, #tpu.memory_space<vmem>>) semaphore(%arg9 : memref<!tpu.dma_semaphore, #tpu.memory_space<semaphore_mem>>)
    %dma_wait3A_242 = arith.constant 768 : i32
    %dma_wait3A_243 = tpu.memref_slice %arg5[%dma_wait3A_242] : memref<1024xi32, #tpu.memory_space<vmem>> -> memref<64xi32, #tpu.memory_space<vmem>>
    %dma_wait3A_244 = arith.constant 0 : i32
    %dma_wait3A_245 = arith.constant 0 : i32
    %dma_wait3A_246 = tpu.memref_slice %arg2[%dma_wait3A_244, %dma_wait3A_245] : memref<65600x768xf32, #tpu.memory_space<hbm>> -> memref<65600x768xf32, #tpu.memory_space<hbm>>
    tpu.wait_indirect_dma semaphore(%arg9 : memref<!tpu.dma_semaphore, #tpu.memory_space<semaphore_mem>>) src(%dma_wait3A_246 : memref<65600x768xf32, #tpu.memory_space<hbm>>) dst(%arg7 : memref<64x768xf32, #tpu.memory_space<vmem>>)
    %add3A_247 = arith.constant 768 : i32
    %add3A_248 = arith.addi %mul3A_2, %add3A_247 : i32
    %dma_start3A_249 = arith.constant 0 : i32
    %dma_start3A_250 = tpu.memref_slice %arg4[%add3A_248, %dma_start3A_249] : memref<32832x768xf32, #tpu.memory_space<hbm>> -> memref<64x768xf32, #tpu.memory_space<hbm>>
    %dma_start3A_251 = arith.constant 0 : i32
    %dma_start3A_252 = tpu.memref_slice %arg4[%add3A_248, %dma_start3A_251] : memref<32832x768xf32, #tpu.memory_space<hbm>> -> memref<64x768xf32, #tpu.memory_space<hbm>>
    tpu.enqueue_dma source(%arg7 : memref<64x768xf32, #tpu.memory_space<vmem>>) target(%dma_start3A_252 : memref<64x768xf32, #tpu.memory_space<hbm>>) target_semaphore(%arg11 : memref<!tpu.dma_semaphore, #tpu.memory_space<semaphore_mem>>)
    %dma_wait3A_253 = arith.constant 0 : i32
    %dma_wait3A_254 = tpu.memref_slice %arg4[%add3A_228, %dma_wait3A_253] : memref<32832x768xf32, #tpu.memory_space<hbm>> -> memref<64x768xf32, #tpu.memory_space<hbm>>
    %dma_wait3A_255 = arith.constant 0 : i32
    %dma_wait3A_256 = tpu.memref_slice %arg4[%add3A_228, %dma_wait3A_255] : memref<32832x768xf32, #tpu.memory_space<hbm>> -> memref<64x768xf32, #tpu.memory_space<hbm>>
    tpu.wait_dma2 semaphore(%arg12 : memref<!tpu.dma_semaphore, #tpu.memory_space<semaphore_mem>>) src(%arg8 : memref<64x768xf32, #tpu.memory_space<vmem>>) dst(%dma_wait3A_256 : memref<64x768xf32, #tpu.memory_space<hbm>>)
    %dma_start3A_257 = arith.constant 832 : i32
    %dma_start3A_258 = tpu.memref_slice %arg5[%dma_start3A_257] : memref<1024xi32, #tpu.memory_space<vmem>> -> memref<64xi32, #tpu.memory_space<vmem>>
    %dma_start3A_259 = arith.constant 0 : i32
    %dma_start3A_260 = arith.constant 0 : i32
    %dma_start3A_261 = tpu.memref_slice %arg2[%dma_start3A_259, %dma_start3A_260] : memref<65600x768xf32, #tpu.memory_space<hbm>> -> memref<65600x768xf32, #tpu.memory_space<hbm>>
    tpu.enqueue_indirect_dma source(%dma_start3A_261 : memref<65600x768xf32, #tpu.memory_space<hbm>>) target(%arg8 : memref<64x768xf32, #tpu.memory_space<vmem>>) offsets(%dma_start3A_258 : memref<64xi32, #tpu.memory_space<vmem>>) semaphore(%arg10 : memref<!tpu.dma_semaphore, #tpu.memory_space<semaphore_mem>>)
    %dma_wait3A_262 = arith.constant 832 : i32
    %dma_wait3A_263 = tpu.memref_slice %arg5[%dma_wait3A_262] : memref<1024xi32, #tpu.memory_space<vmem>> -> memref<64xi32, #tpu.memory_space<vmem>>
    %dma_wait3A_264 = arith.constant 0 : i32
    %dma_wait3A_265 = arith.constant 0 : i32
    %dma_wait3A_266 = tpu.memref_slice %arg2[%dma_wait3A_264, %dma_wait3A_265] : memref<65600x768xf32, #tpu.memory_space<hbm>> -> memref<65600x768xf32, #tpu.memory_space<hbm>>
    tpu.wait_indirect_dma semaphore(%arg10 : memref<!tpu.dma_semaphore, #tpu.memory_space<semaphore_mem>>) src(%dma_wait3A_266 : memref<65600x768xf32, #tpu.memory_space<hbm>>) dst(%arg8 : memref<64x768xf32, #tpu.memory_space<vmem>>)
    %add3A_267 = arith.constant 832 : i32
    %add3A_268 = arith.addi %mul3A_2, %add3A_267 : i32
    %dma_start3A_269 = arith.constant 0 : i32
    %dma_start3A_270 = tpu.memref_slice %arg4[%add3A_268, %dma_start3A_269] : memref<32832x768xf32, #tpu.memory_space<hbm>> -> memref<64x768xf32, #tpu.memory_space<hbm>>
    %dma_start3A_271 = arith.constant 0 : i32
    %dma_start3A_272 = tpu.memref_slice %arg4[%add3A_268, %dma_start3A_271] : memref<32832x768xf32, #tpu.memory_space<hbm>> -> memref<64x768xf32, #tpu.memory_space<hbm>>
    tpu.enqueue_dma source(%arg8 : memref<64x768xf32, #tpu.memory_space<vmem>>) target(%dma_start3A_272 : memref<64x768xf32, #tpu.memory_space<hbm>>) target_semaphore(%arg12 : memref<!tpu.dma_semaphore, #tpu.memory_space<semaphore_mem>>)
    %dma_wait3A_273 = arith.constant 0 : i32
    %dma_wait3A_274 = tpu.memref_slice %arg4[%add3A_248, %dma_wait3A_273] : memref<32832x768xf32, #tpu.memory_space<hbm>> -> memref<64x768xf32, #tpu.memory_space<hbm>>
    %dma_wait3A_275 = arith.constant 0 : i32
    %dma_wait3A_276 = tpu.memref_slice %arg4[%add3A_248, %dma_wait3A_275] : memref<32832x768xf32, #tpu.memory_space<hbm>> -> memref<64x768xf32, #tpu.memory_space<hbm>>
    tpu.wait_dma2 semaphore(%arg11 : memref<!tpu.dma_semaphore, #tpu.memory_space<semaphore_mem>>) src(%arg7 : memref<64x768xf32, #tpu.memory_space<vmem>>) dst(%dma_wait3A_276 : memref<64x768xf32, #tpu.memory_space<hbm>>)
    %dma_start3A_277 = arith.constant 896 : i32
    %dma_start3A_278 = tpu.memref_slice %arg5[%dma_start3A_277] : memref<1024xi32, #tpu.memory_space<vmem>> -> memref<64xi32, #tpu.memory_space<vmem>>
    %dma_start3A_279 = arith.constant 0 : i32
    %dma_start3A_280 = arith.constant 0 : i32
    %dma_start3A_281 = tpu.memref_slice %arg2[%dma_start3A_279, %dma_start3A_280] : memref<65600x768xf32, #tpu.memory_space<hbm>> -> memref<65600x768xf32, #tpu.memory_space<hbm>>
    tpu.enqueue_indirect_dma source(%dma_start3A_281 : memref<65600x768xf32, #tpu.memory_space<hbm>>) target(%arg7 : memref<64x768xf32, #tpu.memory_space<vmem>>) offsets(%dma_start3A_278 : memref<64xi32, #tpu.memory_space<vmem>>) semaphore(%arg9 : memref<!tpu.dma_semaphore, #tpu.memory_space<semaphore_mem>>)
    %dma_wait3A_282 = arith.constant 896 : i32
    %dma_wait3A_283 = tpu.memref_slice %arg5[%dma_wait3A_282] : memref<1024xi32, #tpu.memory_space<vmem>> -> memref<64xi32, #tpu.memory_space<vmem>>
    %dma_wait3A_284 = arith.constant 0 : i32
    %dma_wait3A_285 = arith.constant 0 : i32
    %dma_wait3A_286 = tpu.memref_slice %arg2[%dma_wait3A_284, %dma_wait3A_285] : memref<65600x768xf32, #tpu.memory_space<hbm>> -> memref<65600x768xf32, #tpu.memory_space<hbm>>
    tpu.wait_indirect_dma semaphore(%arg9 : memref<!tpu.dma_semaphore, #tpu.memory_space<semaphore_mem>>) src(%dma_wait3A_286 : memref<65600x768xf32, #tpu.memory_space<hbm>>) dst(%arg7 : memref<64x768xf32, #tpu.memory_space<vmem>>)
    %add3A_287 = arith.constant 896 : i32
    %add3A_288 = arith.addi %mul3A_2, %add3A_287 : i32
    %dma_start3A_289 = arith.constant 0 : i32
    %dma_start3A_290 = tpu.memref_slice %arg4[%add3A_288, %dma_start3A_289] : memref<32832x768xf32, #tpu.memory_space<hbm>> -> memref<64x768xf32, #tpu.memory_space<hbm>>
    %dma_start3A_291 = arith.constant 0 : i32
    %dma_start3A_292 = tpu.memref_slice %arg4[%add3A_288, %dma_start3A_291] : memref<32832x768xf32, #tpu.memory_space<hbm>> -> memref<64x768xf32, #tpu.memory_space<hbm>>
    tpu.enqueue_dma source(%arg7 : memref<64x768xf32, #tpu.memory_space<vmem>>) target(%dma_start3A_292 : memref<64x768xf32, #tpu.memory_space<hbm>>) target_semaphore(%arg11 : memref<!tpu.dma_semaphore, #tpu.memory_space<semaphore_mem>>)
    %dma_wait3A_293 = arith.constant 0 : i32
    %dma_wait3A_294 = tpu.memref_slice %arg4[%add3A_268, %dma_wait3A_293] : memref<32832x768xf32, #tpu.memory_space<hbm>> -> memref<64x768xf32, #tpu.memory_space<hbm>>
    %dma_wait3A_295 = arith.constant 0 : i32
    %dma_wait3A_296 = tpu.memref_slice %arg4[%add3A_268, %dma_wait3A_295] : memref<32832x768xf32, #tpu.memory_space<hbm>> -> memref<64x768xf32, #tpu.memory_space<hbm>>
    tpu.wait_dma2 semaphore(%arg12 : memref<!tpu.dma_semaphore, #tpu.memory_space<semaphore_mem>>) src(%arg8 : memref<64x768xf32, #tpu.memory_space<vmem>>) dst(%dma_wait3A_296 : memref<64x768xf32, #tpu.memory_space<hbm>>)
    %dma_start3A_297 = arith.constant 960 : i32
    %dma_start3A_298 = tpu.memref_slice %arg5[%dma_start3A_297] : memref<1024xi32, #tpu.memory_space<vmem>> -> memref<64xi32, #tpu.memory_space<vmem>>
    %dma_start3A_299 = arith.constant 0 : i32
    %dma_start3A_300 = arith.constant 0 : i32
    %dma_start3A_301 = tpu.memref_slice %arg2[%dma_start3A_299, %dma_start3A_300] : memref<65600x768xf32, #tpu.memory_space<hbm>> -> memref<65600x768xf32, #tpu.memory_space<hbm>>
    tpu.enqueue_indirect_dma source(%dma_start3A_301 : memref<65600x768xf32, #tpu.memory_space<hbm>>) target(%arg8 : memref<64x768xf32, #tpu.memory_space<vmem>>) offsets(%dma_start3A_298 : memref<64xi32, #tpu.memory_space<vmem>>) semaphore(%arg10 : memref<!tpu.dma_semaphore, #tpu.memory_space<semaphore_mem>>)
    %dma_wait3A_302 = arith.constant 960 : i32
    %dma_wait3A_303 = tpu.memref_slice %arg5[%dma_wait3A_302] : memref<1024xi32, #tpu.memory_space<vmem>> -> memref<64xi32, #tpu.memory_space<vmem>>
    %dma_wait3A_304 = arith.constant 0 : i32
    %dma_wait3A_305 = arith.constant 0 : i32
    %dma_wait3A_306 = tpu.memref_slice %arg2[%dma_wait3A_304, %dma_wait3A_305] : memref<65600x768xf32, #tpu.memory_space<hbm>> -> memref<65600x768xf32, #tpu.memory_space<hbm>>
    tpu.wait_indirect_dma semaphore(%arg10 : memref<!tpu.dma_semaphore, #tpu.memory_space<semaphore_mem>>) src(%dma_wait3A_306 : memref<65600x768xf32, #tpu.memory_space<hbm>>) dst(%arg8 : memref<64x768xf32, #tpu.memory_space<vmem>>)
    %add3A_307 = arith.constant 960 : i32
    %add3A_308 = arith.addi %mul3A_2, %add3A_307 : i32
    %dma_start3A_309 = arith.constant 0 : i32
    %dma_start3A_310 = tpu.memref_slice %arg4[%add3A_308, %dma_start3A_309] : memref<32832x768xf32, #tpu.memory_space<hbm>> -> memref<64x768xf32, #tpu.memory_space<hbm>>
    %dma_start3A_311 = arith.constant 0 : i32
    %dma_start3A_312 = tpu.memref_slice %arg4[%add3A_308, %dma_start3A_311] : memref<32832x768xf32, #tpu.memory_space<hbm>> -> memref<64x768xf32, #tpu.memory_space<hbm>>
    tpu.enqueue_dma source(%arg8 : memref<64x768xf32, #tpu.memory_space<vmem>>) target(%dma_start3A_312 : memref<64x768xf32, #tpu.memory_space<hbm>>) target_semaphore(%arg12 : memref<!tpu.dma_semaphore, #tpu.memory_space<semaphore_mem>>)
    %dma_wait3A_313 = arith.constant 0 : i32
    %dma_wait3A_314 = tpu.memref_slice %arg4[%add3A_288, %dma_wait3A_313] : memref<32832x768xf32, #tpu.memory_space<hbm>> -> memref<64x768xf32, #tpu.memory_space<hbm>>
    %dma_wait3A_315 = arith.constant 0 : i32
    %dma_wait3A_316 = tpu.memref_slice %arg4[%add3A_288, %dma_wait3A_315] : memref<32832x768xf32, #tpu.memory_space<hbm>> -> memref<64x768xf32, #tpu.memory_space<hbm>>
    tpu.wait_dma2 semaphore(%arg11 : memref<!tpu.dma_semaphore, #tpu.memory_space<semaphore_mem>>) src(%arg7 : memref<64x768xf32, #tpu.memory_space<vmem>>) dst(%dma_wait3A_316 : memref<64x768xf32, #tpu.memory_space<hbm>>)
    %dma_wait3A_317 = arith.constant 0 : i32
    %dma_wait3A_318 = tpu.memref_slice %arg4[%add3A_308, %dma_wait3A_317] : memref<32832x768xf32, #tpu.memory_space<hbm>> -> memref<64x768xf32, #tpu.memory_space<hbm>>
    %dma_wait3A_319 = arith.constant 0 : i32
    %dma_wait3A_320 = tpu.memref_slice %arg4[%add3A_308, %dma_wait3A_319] : memref<32832x768xf32, #tpu.memory_space<hbm>> -> memref<64x768xf32, #tpu.memory_space<hbm>>
    tpu.wait_dma2 semaphore(%arg12 : memref<!tpu.dma_semaphore, #tpu.memory_space<semaphore_mem>>) src(%arg8 : memref<64x768xf32, #tpu.memory_space<vmem>>) dst(%dma_wait3A_320 : memref<64x768xf32, #tpu.memory_space<hbm>>)
    %eq3A = arith.constant 0 : i32
    %eq3A_321 = arith.cmpi eq, %add3A, %eq3A : i32
    %convert_element_type3A = arith.extui %eq3A_321 : i1 to i32
    %cond3A = arith.constant 0 : i32
    %cond3A_322 = arith.cmpi ne, %convert_element_type3A, %cond3A : i32
    scf.if %cond3A_322 {
      "tpu.region"() ({
        %run_scoped3A = tpu.sem_alloc : memref<!tpu.dma_semaphore, #tpu.memory_space<semaphore_mem>>
        %dma_start3A_329 = arith.constant 32768 : i32
        %dma_start3A_330 = tpu.memref_slice %arg3[%dma_start3A_329] : memref<32832xi32, #tpu.memory_space<hbm>> -> memref<64xi32, #tpu.memory_space<hbm>>
        %dma_start3A_331 = arith.constant 32768 : i32
        %dma_start3A_332 = tpu.memref_slice %arg3[%dma_start3A_331] : memref<32832xi32, #tpu.memory_space<hbm>> -> memref<64xi32, #tpu.memory_space<hbm>>
        tpu.enqueue_dma source(%dma_start3A_332 : memref<64xi32, #tpu.memory_space<hbm>>) target(%arg6 : memref<64xi32, #tpu.memory_space<vmem>>) target_semaphore(%run_scoped3A : memref<!tpu.dma_semaphore, #tpu.memory_space<semaphore_mem>>)
        %dma_wait3A_333 = arith.constant 32768 : i32
        %dma_wait3A_334 = tpu.memref_slice %arg3[%dma_wait3A_333] : memref<32832xi32, #tpu.memory_space<hbm>> -> memref<64xi32, #tpu.memory_space<hbm>>
        %dma_wait3A_335 = arith.constant 32768 : i32
        %dma_wait3A_336 = tpu.memref_slice %arg3[%dma_wait3A_335] : memref<32832xi32, #tpu.memory_space<hbm>> -> memref<64xi32, #tpu.memory_space<hbm>>
        tpu.wait_dma2 semaphore(%run_scoped3A : memref<!tpu.dma_semaphore, #tpu.memory_space<semaphore_mem>>) src(%dma_wait3A_336 : memref<64xi32, #tpu.memory_space<hbm>>) dst(%arg6 : memref<64xi32, #tpu.memory_space<vmem>>)
        tpu.yield
      }) : () -> ()
      %dma_start3A_323 = arith.constant 0 : i32
      %dma_start3A_324 = arith.constant 0 : i32
      %dma_start3A_325 = tpu.memref_slice %arg2[%dma_start3A_323, %dma_start3A_324] : memref<65600x768xf32, #tpu.memory_space<hbm>> -> memref<65600x768xf32, #tpu.memory_space<hbm>>
      tpu.enqueue_indirect_dma source(%dma_start3A_325 : memref<65600x768xf32, #tpu.memory_space<hbm>>) target(%arg7 : memref<64x768xf32, #tpu.memory_space<vmem>>) offsets(%arg6 : memref<64xi32, #tpu.memory_space<vmem>>) semaphore(%arg9 : memref<!tpu.dma_semaphore, #tpu.memory_space<semaphore_mem>>)
      %dma_wait3A_326 = arith.constant 0 : i32
      %dma_wait3A_327 = arith.constant 0 : i32
      %dma_wait3A_328 = tpu.memref_slice %arg2[%dma_wait3A_326, %dma_wait3A_327] : memref<65600x768xf32, #tpu.memory_space<hbm>> -> memref<65600x768xf32, #tpu.memory_space<hbm>>
      tpu.wait_indirect_dma semaphore(%arg9 : memref<!tpu.dma_semaphore, #tpu.memory_space<semaphore_mem>>) src(%dma_wait3A_328 : memref<65600x768xf32, #tpu.memory_space<hbm>>) dst(%arg7 : memref<64x768xf32, #tpu.memory_space<vmem>>)
      "tpu.region"() ({
        %run_scoped3A = tpu.sem_alloc : memref<!tpu.dma_semaphore, #tpu.memory_space<semaphore_mem>>
        %dma_start3A_329 = arith.constant 32768 : i32
        %dma_start3A_330 = arith.constant 0 : i32
        %dma_start3A_331 = tpu.memref_slice %arg4[%dma_start3A_329, %dma_start3A_330] : memref<32832x768xf32, #tpu.memory_space<hbm>> -> memref<64x768xf32, #tpu.memory_space<hbm>>
        %dma_start3A_332 = arith.constant 32768 : i32
        %dma_start3A_333 = arith.constant 0 : i32
        %dma_start3A_334 = tpu.memref_slice %arg4[%dma_start3A_332, %dma_start3A_333] : memref<32832x768xf32, #tpu.memory_space<hbm>> -> memref<64x768xf32, #tpu.memory_space<hbm>>
        tpu.enqueue_dma source(%arg7 : memref<64x768xf32, #tpu.memory_space<vmem>>) target(%dma_start3A_334 : memref<64x768xf32, #tpu.memory_space<hbm>>) target_semaphore(%run_scoped3A : memref<!tpu.dma_semaphore, #tpu.memory_space<semaphore_mem>>)
        %dma_wait3A_335 = arith.constant 32768 : i32
        %dma_wait3A_336 = arith.constant 0 : i32
        %dma_wait3A_337 = tpu.memref_slice %arg4[%dma_wait3A_335, %dma_wait3A_336] : memref<32832x768xf32, #tpu.memory_space<hbm>> -> memref<64x768xf32, #tpu.memory_space<hbm>>
        %dma_wait3A_338 = arith.constant 32768 : i32
        %dma_wait3A_339 = arith.constant 0 : i32
        %dma_wait3A_340 = tpu.memref_slice %arg4[%dma_wait3A_338, %dma_wait3A_339] : memref<32832x768xf32, #tpu.memory_space<hbm>> -> memref<64x768xf32, #tpu.memory_space<hbm>>
        tpu.wait_dma2 semaphore(%run_scoped3A : memref<!tpu.dma_semaphore, #tpu.memory_space<semaphore_mem>>) src(%arg7 : memref<64x768xf32, #tpu.memory_space<vmem>>) dst(%dma_wait3A_340 : memref<64x768xf32, #tpu.memory_space<hbm>>)
        tpu.yield
      }) : () -> ()
    } else {
    }
    return
  }
}

</mosaic_0001>

<sc_bundles>
// kernel: kernel.3.cloned.1.call-start
scs
__scs_entry_jumppad:
0x0: {  	(pc) =	sbr.rel $0x88, $3  }
0x1: {  	(tag) =	ssettag $0x0;
	lr =	simm.s32 $0x1  }
0x2: {  	[smem:$0x3FA0] =	sst lr;
	_ =	strace $0xD0000000  }
0x3: {  	_ = 	snop  }
0x4: {  	_ = 	snop  }
0x5: {  	_ = 	snop  }
0x6: {  	_ = 	snop  }
0x7: {  	_ = 	snop  }
__scs_overlays_trampoline_lowered:
0x8: {  	[smem:$0x3FAF] =	sst s0  }
0x9: {  	[smem:$0x3FB0] =	sst s1  }
0xa: {  	[smem:$0x3FB1] =	sst s2  }
0xb: {  	[smem:$0x3FB2] =	sst s3  }
0xc: {  	[smem:$0x3FB3] =	sst s4  }
0xd: {  	[smem:$0x3FB4] =	sst s5  }
0xe: {  	[smem:$0x3FB5] =	sst s6  }
0xf: {  	[smem:$0x3FB6] =	sst s7  }
0x10: {  	[smem:$0x3FB7] =	sst s8  }
0x11: {  	[smem:$0x3FB8] =	sst s9;
	s0 =	simm.s32 @!p0 $0x0  }
0x12: {  	s1 =	sld [smem:$0x3F9E];
	s0 =	simm.s32 @p0 $0x1  }
0x13: {  	[smem:$0x3FB9] =	sst s0;
	s0 =	simm.s32 @!p1 $0x0  }
0x14: {  	s2 =	sld [smem:$0x3F9D];
	s0 =	simm.s32 @p1 $0x1  }
0x15: {  	[smem:$0x3FBA] =	sst s0;
	s0 =	simm.s32 @!p2 $0x0  }
0x16: {  	s3 =	sld [smem:$0x3FDB];
	s0 =	simm.s32 @p2 $0x1  }
0x17: {  	s4 =	simm.s32 $0x1BF5;
	[smem:$0x3FBC] =	sst s0  }
0x18: {  	s0 =	sld [smem:$0x3F9F];
	_ =	swait.ge [sflag:s4], $0x0  }
0x19: {  	s7 =	sld [smem:$0x3FA0]  }
0x1a: {  	s8 =	sadd.s32 $0xFFFFE003, lr  }
0x1b: {  	s9 =	sadd.s32 $0xFFFFFEF7, lr;
	s5 =	simm.s32 $0xFFFFFFFF;
	p2 =	slt.u32 s8, $0xFFFFF086  }
0x1c: {  	p1 =	slt.u32 s9, $0xF7A;
	s5 =	simm.s32 @!p2 $0x0  }
0x1d: {  	s5 =	simm.s32 @p1 $0x1;
	p0 =	seq.s32 s7, s2  }
0x1e: {  	s7 =	smul.u32 @!p0 $0xF7A, s2;
	p2 =	seq.s32 @!p0 s5, $0x0  }
0x1f: {  	s9 =	smul.u32 $0xF7A, s1;
	s8 =	simm.s32 @!p0 $0x1BF5;
	p2 =	por !p2, p0  }
0x20: {  	[sflag:s8] =	ssyncset.s32 @!p0 $0xFFFFF086;
	s6 =	sadd.s32 @!p0 s3, s7;
	s7 =	simm.s32 @!p0 $0x108  }
0x21: {  	s3 =	sadd.s32 s3, s9;
	s6 =	sadd.s32 @!p0 $0x88, s6;
	s7 =	simm.s32 @p2 $0x1082  }
0x22: {  	[simem:s7], [sflag:s8] =	dma.local @!p0 [hbm:s6], $0xF7A  }
0x23: {  	s9 =	sor.u32 $0xD0000000, s2;
	s6 =	simm.s32 $0x108;
	_ =	swait.ge @!p0 [sflag:s8], $0x0  }
0x24: {  	s3 =	sadd.s32 $0x88, s3;
	s6 =	simm.s32 @!p1 $0x1082;
	[sflag:s4] =	ssyncset.s32 $0xFFFFF086  }
0x25: {  	[simem:s6], [sflag:s4] =	dma.local [hbm:s3], $0xF7A  }
0x26: {  	[smem:$0x3FA0] =	sst s1;
	(tag) =	ssettag s2;
	_ =	strace s9  }
0x27: {  	s1 =	sld [smem:$0x3FB0]  }
0x28: {  	s2 =	sld [smem:$0x3FB1]  }
0x29: {  	s4 =	sld [smem:$0x3FB3]  }
0x2a: {  	p0 =	seq.s32 s5, $0x0;
	s5 =	sld [smem:$0x3FB4]  }
0x2b: {  	s6 =	sld [smem:$0x3FB5]  }
0x2c: {  	s7 =	sld [smem:$0x3FB6]  }
0x2d: {  	s3 =	simm.s32 $0x108;
	s8 =	sld [smem:$0x3FB7]  }
0x2e: {  	s3 =	simm.s32 @!p0 $0x1082;
	s9 =	sld [smem:$0x3FB8]  }
0x2f: {  	lr =	sadd.s32 s0, s3;
	s0 =	sld [smem:$0x3FAF]  }
0x30: {  	s3 =	sld [smem:$0x3FB2]  }
0x31: {  	[smem:$0x3FBB] =	sst s10  }
0x32: {  	s10 =	sld [smem:$0x3FB9];
	_ =	sdelay $0x3  }
0x33: {  	p0 =	seq.s32 s10, $0x1;
	s10 =	sld [smem:$0x3FBB];
	_ =	sdelay $0x3  }
0x34: {  	[smem:$0x3FBB] =	sst s10  }
0x35: {  	s10 =	sld [smem:$0x3FBA];
	_ =	sdelay $0x3  }
0x36: {  	p1 =	seq.s32 s10, $0x1;
	s10 =	sld [smem:$0x3FBB];
	_ =	sdelay $0x3  }
0x37: {  	[smem:$0x3FBB] =	sst s10  }
0x38: {  	s10 =	sld [smem:$0x3FBC]  }
0x39: {  	_ = 	snop;
	(pc) =	sbr.ind lr, $3  }
0x3a: {  	_ = 	snop  }
0x3b: {  	_ = 	snop  }
0x3c: {  	p2 =	seq.s32 s10, $0x1;
	s10 =	sld [smem:$0x3FBB]  }
0x3d: {  	_ =	shalt  }
0x3e: {  	_ =	shalt  }
0x3f: {  	_ =	shalt  }
0x40: {  	_ =	shalt  }
0x41: {  	_ =	shalt  }
0x42: {  	_ =	shalt  }
0x43: {  	_ =	shalt  }
0x44: {  	_ =	shalt  }
0x45: {  	_ =	shalt  }
0x46: {  	_ =	shalt  }
0x47: {  	_ =	shalt  }
0x48: {  	_ =	shalt  }
0x49: {  	_ =	shalt  }
0x4a: {  	_ =	shalt  }
0x4b: {  	_ =	shalt  }
0x4c: {  	_ =	shalt  }
0x4d: {  	_ =	shalt  }
0x4e: {  	_ =	shalt  }
0x4f: {  	_ =	shalt  }
0x50: {  	_ =	shalt  }
0x51: {  	_ =	shalt  }
0x52: {  	_ =	shalt  }
0x53: {  	_ =	shalt  }
0x54: {  	_ =	shalt  }
0x55: {  	_ =	shalt  }
0x56: {  	_ =	shalt  }
0x57: {  	_ =	shalt  }
0x58: {  	_ =	shalt  }
0x59: {  	_ =	shalt  }
0x5a: {  	_ =	shalt  }
0x5b: {  	_ =	shalt  }
0x5c: {  	_ =	shalt  }
0x5d: {  	_ =	shalt  }
0x5e: {  	_ =	shalt  }
0x5f: {  	_ =	shalt  }
0x60: {  	_ =	shalt  }
0x61: {  	_ =	shalt  }
0x62: {  	_ =	shalt  }
0x63: {  	_ =	shalt  }
0x64: {  	_ =	shalt  }
0x65: {  	_ =	shalt  }
0x66: {  	_ =	shalt  }
0x67: {  	_ =	shalt  }
0x68: {  	_ =	shalt  }
0x69: {  	_ =	shalt  }
0x6a: {  	_ =	shalt  }
0x6b: {  	_ =	shalt  }
0x6c: {  	_ =	shalt  }
0x6d: {  	_ =	shalt  }
0x6e: {  	_ =	shalt  }
0x6f: {  	_ =	shalt  }
0x70: {  	_ =	shalt  }
0x71: {  	_ =	shalt  }
0x72: {  	_ =	shalt  }
0x73: {  	_ =	shalt  }
0x74: {  	_ =	shalt  }
0x75: {  	_ =	shalt  }
0x76: {  	_ =	shalt  }
0x77: {  	_ =	shalt  }
0x78: {  	_ =	shalt  }
0x79: {  	_ =	shalt  }
0x7a: {  	_ =	shalt  }
0x7b: {  	_ =	shalt  }
0x7c: {  	_ =	shalt  }
0x7d: {  	_ =	shalt  }
0x7e: {  	_ =	shalt  }
0x7f: {  	_ =	shalt  }
0x80: {  	_ =	shalt  }
0x81: {  	_ =	shalt  }
0x82: {  	_ =	shalt  }
0x83: {  	_ =	shalt  }
0x84: {  	_ =	shalt  }
0x85: {  	_ =	shalt  }
0x86: {  	_ =	shalt  }
0x87: {  	_ =	shalt  }
.Lfunc_end0:
.L_simem_size_0:
called_computation_lowered:
.L_overlay_start_0:
0x88: {  	s2 =	sld [smem:$0x3FD9]  }
0x89: {  	s3 =	sld [smem:$0x3FFE];
	_ =	sdelay $0x1  }
0x8a: {  	s1 =	srdreg.scid  }
0x8b: {  	s0 =	sand.u32 $0x1, s1  }
0x8c: {  	s17 =	sshll.u32 s0, $0xA;
	s2 =	sadd.s32 s3, s2  }
0x8d: {  	s2 =	sadd.s32 s2, s17  }
0x8e: {  	[smem:$0x3FC7] =	sst s2  }
0x8f: {  	_ = 	snop  }
0x90: {  	s2 =	sld [smem:$0x3FC9]  }
0x91: {  	s18 =	sld [smem:$0x3FD0];
	(tm) =	ssettm $0x1  }
0x92: {  	s4 =	sld [smem:$0x3FFB];
	_ =	sdelay $0x3  }
0x93: {  	_ =	strace s4  }
0x94: {  	s4 =	sld [smem:$0x3FFC];
	_ =	sdelay $0x3  }
0x95: {  	_ =	strace s4  }
0x96: {  	s4 =	sld [smem:$0x3FFD];
	_ =	sdelay $0x3  }
0x97: {  	_ =	strace s4  }
0x98: {  	_ =	strace $0x8FFFFFFF  }
0x99: {  	s19 =	sld [smem:$0x3FDB];
	_ =	sdelay $0x1  }
0x9a: {  	s5 =	simm.s32 $_scs_section_size  }
0x9b: {  	s6 =	simm.s32 $_size__tile_overlayer_lowered;
	s7 =	simm.s32 $_tile_overlayer_lowered  }
0x9c: {  	s22 =	simm.s32 $0x1BFF;
	s21 =	sshll.u32 s7, $0x1;
	s4 =	sadd.s32 s5, s19  }
0x9d: {  	s8 =	simm.s32 $0x0;
	s20 =	sshll.u32 s6, $0x1;
	s6 =	sadd.s32 s21, s4  }
0x9e: {  	[timem:s8], [sflag:s22] =	dma.local [hbm:s6], s20  }
0x9f: {  	_ =	swait.ge [sflag:s22], s20  }
0xa0: {  	s5 =	ssub.s32 $0x0, s20;
	[sflag:s22] =	ssyncset.done $0x0  }
0xa1: {  	[sflag:s22] =	ssyncadd.s32 s5;
	_ =	sdelay $0x1  }
0xa2: {  	s23 =	simm.s32 $0x1B8B  }
0xa3: {  	_ =	swait.ge [sflag:s23], $0x1  }
0xa4: {  	[sflag:s23] =	ssyncset.done $0x0  }
0xa5: {  	s25 =	simm.s32 $0x1B8E;
	s24 =	sld [smem:$0x3FFE];
	[sflag:s23] =	ssyncadd.s32 $0xFFFFFFFF  }
0xa6: {  	s26 =	simm.s32 $execute0_lowered;
	[smem:$0x3FD2] =	sst s25  }
0xa7: {  	s6 =	sshll.u32 s26, $0x1;
	_ =	strace $0x80000046;
	[dreg:$0x1] =	wrdreg $0xFFFFFFFF  }
0xa8: {  	s28 =	simm.s32 $_size_execute0_lowered;
	s4 =	sadd.s32 s4, s6;
	[dreg:$0x0] =	wrdreg $0x0  }
0xa9: {  	s6 =	sshll.u32 s28, $0x1;
	[dreg:$0x2] =	wrdreg s4  }
0xaa: {  	[dreg:$0x3] =	wrdreg s6  }
0xab: {  	[dreg:$0x4] =	wrdreg $0xC0  }
0xac: {  	_ =	task [dreg:s8], $0x5FFFF  }
0xad: {  	[dreg:$0x1] =	wrdreg $0xFFFFFFFF  }
0xae: {  	[dreg:$0x0] =	wrdreg $0x60  }
0xaf: {  	[dreg:$0x2] =	wrdreg s2  }
0xb0: {  	[dreg:$0x3] =	wrdreg s24  }
0xb1: {  	[dreg:$0x4] =	wrdreg s18  }
0xb2: {  	[dreg:$0x5] =	wrdreg $0x9  }
0xb3: {  	_ =	task.clear_ibuf [dreg:s8], $0x6FFFF;
	_ =	strace $0x90000046  }
0xb4: {  	s29 =	simm.s32 $0x9;
	_ =	strace $0x80000048  }
0xb5: {  	_ =	swait.ge [sflag:s29], $0x1  }
0xb6: {  	[sflag:s29] =	ssyncadd.s32 $0xFFFFFFFF  }
0xb7: {  	_ =	strace $0x90000048  }
0xb8: {  	_ =	sfence  }
0xb9: {  	s30 =	sld [smem:$0x0];
	_ =	sdelay $0x2  }
0xba: {  	s31 =	sshll.u32 s1, $0xD;
	s1 =	sshrl.u32 s1, $0x2  }
0xbb: {  	s3 =	sand.u32 $0x4000, s31;
	s1 =	sadd.s32 s1, s30  }
0xbc: {  	s0 =	sor.u32 s3, s0;
	s1 =	sshll.u32 s1, $0x11  }
0xbd: {  	s0 =	sor.u32 s1, s0  }
0xbe: {  	s0 =	sadd.s32 $0x8F2B, s0  }
0xbf: {  	[sflag:s0] =	ssyncadd.remote.s32 $0x1  }
0xc0: {  	_ =	sfence.sel $0xFFFF  }
0xc1: {  	[dreg:$0x0] =	wrdreg $0xFFFFFFFF;
	(pc) =	sbr.abs _section_cstart, $3  }
0xc2: {  	[dreg:$0x1] =	wrdreg $0xFFFFFFFF  }
0xc3: {  	_ =	task.clear_ibuf [dreg:s8], $0x2FFFF;
	_ =	strace $0x9FFFFFFF  }
0xc4: {  	(tm) =	ssettm $0x7FFFFFFF  }
0xc5: {  	_ =	shalt  }
tec
execute0_lowered:
.L_overlay_start_1:
0x0: {  	(tag) =	ssettag $0x1  }
0x1: {  	s1 =	rddreg [dreg:$0x0]  }
0x2: {  	s0 =	rddreg [dreg:$0x1]  }
0x3: {  	s2 =	rddreg [dreg:$0x2]  }
0x4: {  	s4 =	srdreg.scid;
	s5 =	stileid.u32  }
0x5: {  	s3 =	simm.s32 $0x0;
	s4 =	sand.u32 $0x1, s4;
	s5 =	sshll.u32 s5, $0x1  }
0x6: {  	[smem:$0x7FF] =	sst s3;
	s6 =	ssub.s32 $0x2, s4;
	s4 =	sor.u32 s4, s5  }
0x7: {  	s26 =	sadd.s32 $0x300000, s2;
	_ =	strace $0x80000047;
	s7 =	sshll.u32 s4, $0x7  }
0x8: {  	[dreg:$0x16] =	wrdreg s26;
	s8 =	smul.u32 $0x18000, s4;
	s11 =	sadd.s32 s0, s7  }
0x9: {  	s0 =	sadd.s32 $0x1000, s0;
	[dreg:$0x4] =	wrdreg s11  }
0xa: {  	s10 =	sshrl.u32 s6, $0x1;
	s8 =	sadd.s32 s2, s8;
	[dreg:$0x15] =	wrdreg s0  }
0xb: {  	s9 =	ssub.s32 s6, s10;
	s10 =	sadd.s32 $0x1800, s8;
	[dreg:$0x5] =	wrdreg s8  }
0xc: {  	s12 =	smul.u32 $0xC0000, s4;
	s13 =	sadd.s32 $0x3000, s8;
	[dreg:$0x6] =	wrdreg s10  }
0xd: {  	s14 =	sadd.s32 $0x4800, s8;
	[dreg:$0x7] =	wrdreg s13  }
0xe: {  	s7 =	sshrl.u32 s12, $0x3;
	s15 =	sadd.s32 $0x6000, s8;
	[dreg:$0x8] =	wrdreg s14  }
0xf: {  	s7 =	sadd.s32 s2, s7;
	s8 =	sadd.s32 $0x7800, s8;
	[dreg:$0x9] =	wrdreg s15  }
0x10: {  	[dreg:$0xa] =	wrdreg s8;
	s16 =	sadd.s32 $0x9000, s7  }
0x11: {  	s28 =	simm.s32 $0x480;
	s17 =	sadd.s32 $0xA800, s7;
	[dreg:$0xb] =	wrdreg s16  }
0x12: {  	s29 =	simm.s32 $0x2;
	s18 =	sadd.s32 $0xC000, s7;
	[dreg:$0xc] =	wrdreg s17  }
0x13: {  	s30 =	simm.s32 $0x3;
	s19 =	sadd.s32 $0xD800, s7;
	[dreg:$0xd] =	wrdreg s18  }
0x14: {  	s31 =	simm.s32 $0x4;
	s20 =	sadd.s32 $0xF000, s7;
	[dreg:$0xe] =	wrdreg s19  }
0x15: {  	s5 =	sadd.s32 $0x100, s1;
	s21 =	sadd.s32 $0x10800, s7;
	[dreg:$0xf] =	wrdreg s20  }
.Ltmp0:
0x16: {  	s22 =	sadd.s32 $0x12000, s7;
	[dreg:$0x10] =	wrdreg s21;
	(pc) =	sbr.rel .LBB2_1-.Ltmp0, $4  }
0x17: {  	s26 =	simm.s32 $0xC480;
	s23 =	sadd.s32 $0x13800, s7;
	[dreg:$0x11] =	wrdreg s22  }
0x18: {  	v2 =	vlaneseq.u32;
	p0 =	sne.s32 s4, $0x0;
	s24 =	sadd.s32 $0x15000, s7;
	[dreg:$0x12] =	wrdreg s23  }
0x19: {  	vm0 =	vmmov $0xffff;
	v1 =	vshrl.u32 v2, $0x3;
	s6 =	sadd.s32 $0x200, s1;
	s25 =	sadd.s32 $0x16800, s7;
	[dreg:$0x13] =	wrdreg s24  }
0x1a: {  	v0 =	vand.u32 $0x7, v2;
	v2 =	vor.u32 $0x8, v2;
	v1 =	vmul.u32 $0x8, v1;
	s0 =	smax.u32 s9, $0x1;
	s7 =	simm.s32 $0x1;
	[dreg:$0x14] =	wrdreg s25  }
.LBB2_3:
0x1b: {  	s0 =	rddreg [dreg:$0x17]  }
0x1c: {  	s0 =	sadd.s32 $0xFFFFFFFF, s0  }
0x1d: {  	p1 =	sne.s32 s0, $0x0  }
.Ltmp1:
0x1e: {  	_ = 	snop;
	(pc) =	sbr.rel @!p1 .LBB2_4-.Ltmp1, $1  }
0x1f: {  	_ =	sdelay $0x3  }
.LBB2_1:
0x20: {  	[dreg:$0x17] =	wrdreg s0  }
0x21: {  	s25 =	rddreg [dreg:$0x4];
	s2 =	simm.s32 $0x5  }
0x22: {  	[tilespmem:s3], [sflag:$0x5] =	stream.linear.gather [hbm4b:s25+s3], $0x400, $0x38;
	[tilespmem:$0x18480] =	vst v63  }
0x23: {  	_ =	swait.ge [sflag:s2], $0x400  }
0x24: {  	[sflag:s2] =	ssyncset.done $0x0  }
0x25: {  	[sflag:s2] =	ssyncadd.s32 $0xFFFFFC00  }
0x26: {  	v3 =	vld [tilespmem:$0x0];
	_ =	sdelay $0x4  }
0x27: {  	v4 =	vshrl.u32 v3, $0x3  }
0x28: {  	v4 =	vmul.u32 $0x30, v4  }
0x29: {  	v3 =	vand.u32 $0x7, v3  }
0x2a: {  	v3 =	vor.u32 v3, v4  }
0x2b: {  	v4 =	vperm.xlane v3, v0;
	_ =	sdelay $0x1  }
0x2c: {  	v4 =	vadd.s32 v1, v4;
	_ =	sdelay $0x3  }
0x2d: {  	v3 =	vperm.xlane v3, v2  }
0x2e: {  	[tilespmem:s28], [sflag:$0x1] =	stream.indirect_vreg.gather [hbm4b:s1+s3], $0x80, v4, vm0, $0xb8;
	[tilespmem:$0x18480] =	vst v63  }
0x2f: {  	s4 =	simm.s32 $0xC80;
	v3 =	vadd.s32 v1, v3  }
0x30: {  	[tilespmem:s4], [sflag:$0x1] =	stream.indirect_vreg.gather [hbm4b:s5+s3], $0x80, v4, vm0, $0xb8;
	[tilespmem:$0x18480] =	vst v63  }
0x31: {  	s8 =	simm.s32 $0x1480  }
0x32: {  	[tilespmem:s8], [sflag:$0x1] =	stream.indirect_vreg.gather [hbm4b:s6+s3], $0x80, v4, vm0, $0xb8;
	[tilespmem:$0x18480] =	vst v63  }
0x33: {  	s9 =	simm.s32 $0x1C80  }
0x34: {  	[tilespmem:s9], [sflag:$0x1] =	stream.indirect_vreg.gather [hbm4b:s1+s3], $0x80, v3, vm0, $0xb8;
	[tilespmem:$0x18480] =	vst v63  }
0x35: {  	s10 =	simm.s32 $0x2480  }
0x36: {  	[tilespmem:s10], [sflag:$0x1] =	stream.indirect_vreg.gather [hbm4b:s5+s3], $0x80, v3, vm0, $0xb8;
	[tilespmem:$0x18480] =	vst v63  }
0x37: {  	s11 =	simm.s32 $0x2C80  }
0x38: {  	[tilespmem:s11], [sflag:$0x1] =	stream.indirect_vreg.gather [hbm4b:s6+s3], $0x80, v3, vm0, $0xb8;
	[tilespmem:$0x18480] =	vst v63  }
0x39: {  	v3 =	vld [tilespmem:$0x10];
	_ =	sdelay $0x4  }
0x3a: {  	v57 =	vshrl.u32 v3, $0x3  }
0x3b: {  	v4 =	vmul.u32 $0x30, v57  }
0x3c: {  	v3 =	vand.u32 $0x7, v3  }
0x3d: {  	v3 =	vor.u32 v3, v4  }
0x3e: {  	v4 =	vperm.xlane v3, v0;
	_ =	sdelay $0x1  }
0x3f: {  	v4 =	vadd.s32 v1, v4;
	_ =	sdelay $0x3  }
0x40: {  	s12 =	simm.s32 $0x3480;
	v3 =	vperm.xlane v3, v2  }
0x41: {  	[tilespmem:s12], [sflag:$0x1] =	stream.indirect_vreg.gather [hbm4b:s1+s3], $0x80, v4, vm0, $0xb8;
	[tilespmem:$0x18480] =	vst v63  }
0x42: {  	s13 =	simm.s32 $0x3C80;
	v3 =	vadd.s32 v1, v3  }
0x43: {  	[tilespmem:s13], [sflag:$0x1] =	stream.indirect_vreg.gather [hbm4b:s5+s3], $0x80, v4, vm0, $0xb8;
	[tilespmem:$0x18480] =	vst v63  }
0x44: {  	s14 =	simm.s32 $0x4480  }
0x45: {  	[tilespmem:s14], [sflag:$0x1] =	stream.indirect_vreg.gather [hbm4b:s6+s3], $0x80, v4, vm0, $0xb8;
	[tilespmem:$0x18480] =	vst v63  }
0x46: {  	s15 =	simm.s32 $0x4C80  }
0x47: {  	[tilespmem:s15], [sflag:$0x1] =	stream.indirect_vreg.gather [hbm4b:s1+s3], $0x80, v3, vm0, $0xb8;
	[tilespmem:$0x18480] =	vst v63  }
0x48: {  	s16 =	simm.s32 $0x5480  }
0x49: {  	[tilespmem:s16], [sflag:$0x1] =	stream.indirect_vreg.gather [hbm4b:s5+s3], $0x80, v3, vm0, $0xb8;
	[tilespmem:$0x18480] =	vst v63  }
0x4a: {  	s17 =	simm.s32 $0x5C80  }
0x4b: {  	[tilespmem:s17], [sflag:$0x1] =	stream.indirect_vreg.gather [hbm4b:s6+s3], $0x80, v3, vm0, $0xb8;
	[tilespmem:$0x18480] =	vst v63  }
0x4c: {  	v3 =	vld [tilespmem:$0x20];
	_ =	sdelay $0x4  }
0x4d: {  	v58 =	vshrl.u32 v3, $0x3  }
0x4e: {  	v4 =	vmul.u32 $0x30, v58  }
0x4f: {  	v3 =	vand.u32 $0x7, v3  }
0x50: {  	v3 =	vor.u32 v3, v4  }
0x51: {  	v4 =	vperm.xlane v3, v0;
	_ =	sdelay $0x1  }
0x52: {  	v4 =	vadd.s32 v1, v4;
	_ =	sdelay $0x3  }
0x53: {  	s18 =	simm.s32 $0x6480;
	v3 =	vperm.xlane v3, v2  }
0x54: {  	[tilespmem:s18], [sflag:$0x1] =	stream.indirect_vreg.gather [hbm4b:s1+s3], $0x80, v4, vm0, $0xb8;
	[tilespmem:$0x18480] =	vst v63  }
0x55: {  	s19 =	simm.s32 $0x6C80;
	v3 =	vadd.s32 v1, v3  }
0x56: {  	[tilespmem:s19], [sflag:$0x1] =	stream.indirect_vreg.gather [hbm4b:s5+s3], $0x80, v4, vm0, $0xb8;
	[tilespmem:$0x18480] =	vst v63  }
0x57: {  	s20 =	simm.s32 $0x7480  }
0x58: {  	[tilespmem:s20], [sflag:$0x1] =	stream.indirect_vreg.gather [hbm4b:s6+s3], $0x80, v4, vm0, $0xb8;
	[tilespmem:$0x18480] =	vst v63  }
0x59: {  	s21 =	simm.s32 $0x7C80  }
0x5a: {  	[tilespmem:s21], [sflag:$0x1] =	stream.indirect_vreg.gather [hbm4b:s1+s3], $0x80, v3, vm0, $0xb8;
	[tilespmem:$0x18480] =	vst v63  }
0x5b: {  	s10 =	simm.s32 $0x8480  }
0x5c: {  	[tilespmem:s10], [sflag:$0x1] =	stream.indirect_vreg.gather [hbm4b:s5+s3], $0x80, v3, vm0, $0xb8;
	[tilespmem:$0x18480] =	vst v63  }
0x5d: {  	s11 =	simm.s32 $0x8C80  }
0x5e: {  	[tilespmem:s11], [sflag:$0x1] =	stream.indirect_vreg.gather [hbm4b:s6+s3], $0x80, v3, vm0, $0xb8;
	[tilespmem:$0x18480] =	vst v63  }
0x5f: {  	v3 =	vld [tilespmem:$0x30];
	_ =	sdelay $0x4  }
0x60: {  	v59 =	vshrl.u32 v3, $0x3  }
0x61: {  	v4 =	vmul.u32 $0x30, v59  }
0x62: {  	v3 =	vand.u32 $0x7, v3  }
0x63: {  	v3 =	vor.u32 v3, v4  }
0x64: {  	v4 =	vperm.xlane v3, v0;
	_ =	sdelay $0x1  }
0x65: {  	v4 =	vadd.s32 v1, v4;
	_ =	sdelay $0x3  }
0x66: {  	s12 =	simm.s32 $0x9480;
	v3 =	vperm.xlane v3, v2  }
0x67: {  	[tilespmem:s12], [sflag:$0x1] =	stream.indirect_vreg.gather [hbm4b:s1+s3], $0x80, v4, vm0, $0xb8;
	[tilespmem:$0x18480] =	vst v63  }
0x68: {  	s18 =	simm.s32 $0x9C80;
	v3 =	vadd.s32 v1, v3  }
0x69: {  	[tilespmem:s18], [sflag:$0x1] =	stream.indirect_vreg.gather [hbm4b:s5+s3], $0x80, v4, vm0, $0xb8;
	[tilespmem:$0x18480] =	vst v63  }
0x6a: {  	s19 =	simm.s32 $0xA480  }
0x6b: {  	[tilespmem:s19], [sflag:$0x1] =	stream.indirect_vreg.gather [hbm4b:s6+s3], $0x80, v4, vm0, $0xb8;
	[tilespmem:$0x18480] =	vst v63  }
0x6c: {  	s20 =	simm.s32 $0xAC80  }
0x6d: {  	[tilespmem:s20], [sflag:$0x1] =	stream.indirect_vreg.gather [hbm4b:s1+s3], $0x80, v3, vm0, $0xb8;
	[tilespmem:$0x18480] =	vst v63  }
0x6e: {  	s21 =	simm.s32 $0xB480  }
0x6f: {  	[tilespmem:s21], [sflag:$0x1] =	stream.indirect_vreg.gather [hbm4b:s5+s3], $0x80, v3, vm0, $0xb8;
	[tilespmem:$0x18480] =	vst v63  }
0x70: {  	s12 =	simm.s32 $0xBC80  }
0x71: {  	[tilespmem:s12], [sflag:$0x1] =	stream.indirect_vreg.gather [hbm4b:s6+s3], $0x80, v3, vm0, $0xb8;
	[tilespmem:$0x18480] =	vst v63  }
0x72: {  	_ =	swait.ge [sflag:s7], $0xC000  }
0x73: {  	[sflag:s7] =	ssyncset.done $0x0  }
0x74: {  	s0 =	rddreg [dreg:$0x5];
	[sflag:s7] =	ssyncadd.s32 $0xFFFF4000  }
0x75: {  	[hbm4b:s0+s3] =	stream.linear.scatter [tilespmem:s28], [sflag:$0x3], $0xC000, $0x38;
	[tilespmem:$0x18480] =	vst v63  }
0x76: {  	v3 =	vld [tilespmem:$0x40];
	_ =	sdelay $0x4  }
0x77: {  	v60 =	vshrl.u32 v3, $0x3  }
0x78: {  	v4 =	vmul.u32 $0x30, v60  }
0x79: {  	v3 =	vand.u32 $0x7, v3  }
0x7a: {  	v3 =	vor.u32 v3, v4  }
0x7b: {  	v4 =	vperm.xlane v3, v0;
	_ =	sdelay $0x1  }
0x7c: {  	v4 =	vadd.s32 v1, v4;
	_ =	sdelay $0x3  }
0x7d: {  	v3 =	vperm.xlane v3, v2  }
0x7e: {  	[tilespmem:s26], [sflag:$0x2] =	stream.indirect_vreg.gather [hbm4b:s1+s3], $0x80, v4, vm0, $0xb8;
	[tilespmem:$0x18480] =	vst v63  }
0x7f: {  	s0 =	simm.s32 $0xCC80;
	v3 =	vadd.s32 v1, v3  }
0x80: {  	[tilespmem:s0], [sflag:$0x2] =	stream.indirect_vreg.gather [hbm4b:s5+s3], $0x80, v4, vm0, $0xb8;
	[tilespmem:$0x18480] =	vst v63  }
0x81: {  	s0 =	simm.s32 $0xD480  }
0x82: {  	[tilespmem:s0], [sflag:$0x2] =	stream.indirect_vreg.gather [hbm4b:s6+s3], $0x80, v4, vm0, $0xb8;
	[tilespmem:$0x18480] =	vst v63  }
0x83: {  	s0 =	simm.s32 $0xDC80  }
0x84: {  	[tilespmem:s0], [sflag:$0x2] =	stream.indirect_vreg.gather [hbm4b:s1+s3], $0x80, v3, vm0, $0xb8;
	[tilespmem:$0x18480] =	vst v63  }
0x85: {  	s0 =	simm.s32 $0xE480  }
0x86: {  	[tilespmem:s0], [sflag:$0x2] =	stream.indirect_vreg.gather [hbm4b:s5+s3], $0x80, v3, vm0, $0xb8;
	[tilespmem:$0x18480] =	vst v63  }
0x87: {  	s0 =	simm.s32 $0xEC80  }
0x88: {  	[tilespmem:s0], [sflag:$0x2] =	stream.indirect_vreg.gather [hbm4b:s6+s3], $0x80, v3, vm0, $0xb8;
	[tilespmem:$0x18480] =	vst v63  }
0x89: {  	v3 =	vld [tilespmem:$0x50];
	_ =	sdelay $0x4  }
0x8a: {  	v61 =	vshrl.u32 v3, $0x3  }
0x8b: {  	v4 =	vmul.u32 $0x30, v61  }
0x8c: {  	v3 =	vand.u32 $0x7, v3  }
0x8d: {  	v3 =	vor.u32 v3, v4  }
0x8e: {  	v4 =	vperm.xlane v3, v0;
	_ =	sdelay $0x1  }
0x8f: {  	v4 =	vadd.s32 v1, v4;
	_ =	sdelay $0x3  }
0x90: {  	s0 =	simm.s32 $0xF480;
	v3 =	vperm.xlane v3, v2  }
0x91: {  	[tilespmem:s0], [sflag:$0x2] =	stream.indirect_vreg.gather [hbm4b:s1+s3], $0x80, v4, vm0, $0xb8;
	[tilespmem:$0x18480] =	vst v63  }
0x92: {  	v3 =	vadd.s32 v1, v3;
	s0 =	simm.s32 $0xFC80  }
0x93: {  	[tilespmem:s0], [sflag:$0x2] =	stream.indirect_vreg.gather [hbm4b:s5+s3], $0x80, v4, vm0, $0xb8;
	[tilespmem:$0x18480] =	vst v63  }
0x94: {  	s0 =	simm.s32 $0x10480  }
0x95: {  	[tilespmem:s0], [sflag:$0x2] =	stream.indirect_vreg.gather [hbm4b:s6+s3], $0x80, v4, vm0, $0xb8;
	[tilespmem:$0x18480] =	vst v63  }
0x96: {  	s0 =	simm.s32 $0x10C80  }
0x97: {  	[tilespmem:s0], [sflag:$0x2] =	stream.indirect_vreg.gather [hbm4b:s1+s3], $0x80, v3, vm0, $0xb8;
	[tilespmem:$0x18480] =	vst v63  }
0x98: {  	s0 =	simm.s32 $0x11480  }
0x99: {  	[tilespmem:s0], [sflag:$0x2] =	stream.indirect_vreg.gather [hbm4b:s5+s3], $0x80, v3, vm0, $0xb8;
	[tilespmem:$0x18480] =	vst v63  }
0x9a: {  	s0 =	simm.s32 $0x11C80  }
0x9b: {  	[tilespmem:s0], [sflag:$0x2] =	stream.indirect_vreg.gather [hbm4b:s6+s3], $0x80, v3, vm0, $0xb8;
	[tilespmem:$0x18480] =	vst v63  }
0x9c: {  	v3 =	vld [tilespmem:$0x60];
	_ =	sdelay $0x4  }
0x9d: {  	v62 =	vshrl.u32 v3, $0x3  }
0x9e: {  	v4 =	vmul.u32 $0x30, v62  }
0x9f: {  	v3 =	vand.u32 $0x7, v3  }
0xa0: {  	v3 =	vor.u32 v3, v4  }
0xa1: {  	v4 =	vperm.xlane v3, v0;
	_ =	sdelay $0x1  }
0xa2: {  	v4 =	vadd.s32 v1, v4;
	_ =	sdelay $0x3  }
0xa3: {  	s0 =	simm.s32 $0x12480;
	v3 =	vperm.xlane v3, v2  }
0xa4: {  	[tilespmem:s0], [sflag:$0x2] =	stream.indirect_vreg.gather [hbm4b:s1+s3], $0x80, v4, vm0, $0xb8;
	[tilespmem:$0x18480] =	vst v63  }
0xa5: {  	v3 =	vadd.s32 v1, v3;
	s0 =	simm.s32 $0x12C80  }
0xa6: {  	[tilespmem:s0], [sflag:$0x2] =	stream.indirect_vreg.gather [hbm4b:s5+s3], $0x80, v4, vm0, $0xb8;
	[tilespmem:$0x18480] =	vst v63  }
0xa7: {  	s0 =	simm.s32 $0x13480  }
0xa8: {  	[tilespmem:s0], [sflag:$0x2] =	stream.indirect_vreg.gather [hbm4b:s6+s3], $0x80, v4, vm0, $0xb8;
	[tilespmem:$0x18480] =	vst v63  }
0xa9: {  	s0 =	simm.s32 $0x13C80  }
0xaa: {  	[tilespmem:s0], [sflag:$0x2] =	stream.indirect_vreg.gather [hbm4b:s1+s3], $0x80, v3, vm0, $0xb8;
	[tilespmem:$0x18480] =	vst v63  }
0xab: {  	s0 =	simm.s32 $0x14480  }
0xac: {  	[tilespmem:s0], [sflag:$0x2] =	stream.indirect_vreg.gather [hbm4b:s5+s3], $0x80, v3, vm0, $0xb8;
	[tilespmem:$0x18480] =	vst v63  }
0xad: {  	s0 =	simm.s32 $0x14C80  }
0xae: {  	[tilespmem:s0], [sflag:$0x2] =	stream.indirect_vreg.gather [hbm4b:s6+s3], $0x80, v3, vm0, $0xb8;
	[tilespmem:$0x18480] =	vst v63  }
0xaf: {  	v3 =	vld [tilespmem:$0x70];
	_ =	sdelay $0x4  }
0xb0: {  	v63 =	vshrl.u32 v3, $0x3  }
0xb1: {  	v4 =	vmul.u32 $0x30, v63  }
0xb2: {  	v3 =	vand.u32 $0x7, v3  }
0xb3: {  	v3 =	vor.u32 v3, v4  }
0xb4: {  	v4 =	vperm.xlane v3, v0;
	_ =	sdelay $0x1  }
0xb5: {  	v4 =	vadd.s32 v1, v4;
	_ =	sdelay $0x3  }
0xb6: {  	s0 =	simm.s32 $0x15480;
	v3 =	vperm.xlane v3, v2  }
0xb7: {  	[tilespmem:s0], [sflag:$0x2] =	stream.indirect_vreg.gather [hbm4b:s1+s3], $0x80, v4, vm0, $0xb8;
	[tilespmem:$0x18480] =	vst v63  }
0xb8: {  	v3 =	vadd.s32 v1, v3;
	s0 =	simm.s32 $0x15C80  }
0xb9: {  	[tilespmem:s0], [sflag:$0x2] =	stream.indirect_vreg.gather [hbm4b:s5+s3], $0x80, v4, vm0, $0xb8;
	[tilespmem:$0x18480] =	vst v63  }
0xba: {  	s0 =	simm.s32 $0x16480  }
0xbb: {  	[tilespmem:s0], [sflag:$0x2] =	stream.indirect_vreg.gather [hbm4b:s6+s3], $0x80, v4, vm0, $0xb8;
	[tilespmem:$0x18480] =	vst v63  }
0xbc: {  	s0 =	simm.s32 $0x16C80  }
0xbd: {  	[tilespmem:s0], [sflag:$0x2] =	stream.indirect_vreg.gather [hbm4b:s1+s3], $0x80, v3, vm0, $0xb8;
	[tilespmem:$0x18480] =	vst v63  }
0xbe: {  	s0 =	simm.s32 $0x17480  }
0xbf: {  	[tilespmem:s0], [sflag:$0x2] =	stream.indirect_vreg.gather [hbm4b:s5+s3], $0x80, v3, vm0, $0xb8;
	[tilespmem:$0x18480] =	vst v63  }
0xc0: {  	s0 =	simm.s32 $0x17C80  }
0xc1: {  	[tilespmem:s0], [sflag:$0x2] =	stream.indirect_vreg.gather [hbm4b:s6+s3], $0x80, v3, vm0, $0xb8;
	[tilespmem:$0x18480] =	vst v63  }
0xc2: {  	_ =	swait.ge [sflag:s29], $0xC000  }
0xc3: {  	[sflag:s29] =	ssyncset.done $0x0  }
0xc4: {  	s0 =	rddreg [dreg:$0x6];
	[sflag:s29] =	ssyncadd.s32 $0xFFFF4000  }
0xc5: {  	[hbm4b:s0+s3] =	stream.linear.scatter [tilespmem:s26], [sflag:$0x4], $0xC000, $0x38;
	[tilespmem:$0x18480] =	vst v63  }
0xc6: {  	_ =	swait.ge [sflag:s30], $0xC000  }
0xc7: {  	[sflag:s30] =	ssyncset.done $0x0  }
0xc8: {  	[sflag:s30] =	ssyncadd.s32 $0xFFFF4000  }
0xc9: {  	v3 =	vld [tilespmem:$0x80];
	_ =	sdelay $0x4  }
0xca: {  	v8 =	vshrl.u32 v3, $0x3  }
0xcb: {  	v4 =	vmul.u32 $0x30, v8  }
0xcc: {  	v3 =	vand.u32 $0x7, v3  }
0xcd: {  	v3 =	vor.u32 v3, v4  }
0xce: {  	v4 =	vperm.xlane v3, v0;
	_ =	sdelay $0x1  }
0xcf: {  	v4 =	vadd.s32 v1, v4;
	_ =	sdelay $0x3  }
0xd0: {  	v3 =	vperm.xlane v3, v2  }
0xd1: {  	[tilespmem:s28], [sflag:$0x1] =	stream.indirect_vreg.gather [hbm4b:s1+s3], $0x80, v4, vm0, $0xb8;
	[tilespmem:$0x18480] =	vst v63  }
0xd2: {  	s22 =	simm.s32 $0xC80;
	v3 =	vadd.s32 v1, v3  }
0xd3: {  	[tilespmem:s22], [sflag:$0x1] =	stream.indirect_vreg.gather [hbm4b:s5+s3], $0x80, v4, vm0, $0xb8;
	[tilespmem:$0x18480] =	vst v63  }
0xd4: {  	s23 =	simm.s32 $0x1480  }
0xd5: {  	[tilespmem:s23], [sflag:$0x1] =	stream.indirect_vreg.gather [hbm4b:s6+s3], $0x80, v4, vm0, $0xb8;
	[tilespmem:$0x18480] =	vst v63  }
0xd6: {  	s24 =	simm.s32 $0x1C80  }
0xd7: {  	[tilespmem:s24], [sflag:$0x1] =	stream.indirect_vreg.gather [hbm4b:s1+s3], $0x80, v3, vm0, $0xb8;
	[tilespmem:$0x18480] =	vst v63  }
0xd8: {  	s25 =	simm.s32 $0x2480  }
0xd9: {  	[tilespmem:s25], [sflag:$0x1] =	stream.indirect_vreg.gather [hbm4b:s5+s3], $0x80, v3, vm0, $0xb8;
	[tilespmem:$0x18480] =	vst v63  }
0xda: {  	s2 =	simm.s32 $0x2C80  }
0xdb: {  	[tilespmem:s2], [sflag:$0x1] =	stream.indirect_vreg.gather [hbm4b:s6+s3], $0x80, v3, vm0, $0xb8;
	[tilespmem:$0x18480] =	vst v63  }
0xdc: {  	v3 =	vld [tilespmem:$0x90];
	_ =	sdelay $0x4  }
0xdd: {  	v9 =	vshrl.u32 v3, $0x3  }
0xde: {  	v4 =	vmul.u32 $0x30, v9  }
0xdf: {  	v3 =	vand.u32 $0x7, v3  }
0xe0: {  	v3 =	vor.u32 v3, v4  }
0xe1: {  	v4 =	vperm.xlane v3, v0;
	_ =	sdelay $0x1  }
0xe2: {  	v4 =	vadd.s32 v1, v4;
	_ =	sdelay $0x3  }
0xe3: {  	s4 =	simm.s32 $0x3480;
	v3 =	vperm.xlane v3, v2  }
0xe4: {  	[tilespmem:s4], [sflag:$0x1] =	stream.indirect_vreg.gather [hbm4b:s1+s3], $0x80, v4, vm0, $0xb8;
	[tilespmem:$0x18480] =	vst v63  }
0xe5: {  	s25 =	simm.s32 $0x3C80;
	v3 =	vadd.s32 v1, v3  }
0xe6: {  	[tilespmem:s25], [sflag:$0x1] =	stream.indirect_vreg.gather [hbm4b:s5+s3], $0x80, v4, vm0, $0xb8;
	[tilespmem:$0x18480] =	vst v63  }
0xe7: {  	s2 =	simm.s32 $0x4480  }
0xe8: {  	[tilespmem:s2], [sflag:$0x1] =	stream.indirect_vreg.gather [hbm4b:s6+s3], $0x80, v4, vm0, $0xb8;
	[tilespmem:$0x18480] =	vst v63  }
0xe9: {  	s4 =	simm.s32 $0x4C80  }
0xea: {  	[tilespmem:s4], [sflag:$0x1] =	stream.indirect_vreg.gather [hbm4b:s1+s3], $0x80, v3, vm0, $0xb8;
	[tilespmem:$0x18480] =	vst v63  }
0xeb: {  	s13 =	simm.s32 $0x5480  }
0xec: {  	[tilespmem:s13], [sflag:$0x1] =	stream.indirect_vreg.gather [hbm4b:s5+s3], $0x80, v3, vm0, $0xb8;
	[tilespmem:$0x18480] =	vst v63  }
0xed: {  	s8 =	simm.s32 $0x5C80  }
0xee: {  	[tilespmem:s8], [sflag:$0x1] =	stream.indirect_vreg.gather [hbm4b:s6+s3], $0x80, v3, vm0, $0xb8;
	[tilespmem:$0x18480] =	vst v63  }
0xef: {  	v3 =	vld [tilespmem:$0xA0];
	_ =	sdelay $0x4  }
0xf0: {  	v10 =	vshrl.u32 v3, $0x3  }
0xf1: {  	v4 =	vmul.u32 $0x30, v10  }
0xf2: {  	v3 =	vand.u32 $0x7, v3  }
0xf3: {  	v3 =	vor.u32 v3, v4  }
0xf4: {  	v4 =	vperm.xlane v3, v0;
	_ =	sdelay $0x1  }
0xf5: {  	v4 =	vadd.s32 v1, v4;
	_ =	sdelay $0x3  }
0xf6: {  	s9 =	simm.s32 $0x6480;
	v3 =	vperm.xlane v3, v2  }
0xf7: {  	[tilespmem:s9], [sflag:$0x1] =	stream.indirect_vreg.gather [hbm4b:s1+s3], $0x80, v4, vm0, $0xb8;
	[tilespmem:$0x18480] =	vst v63  }
0xf8: {  	s14 =	simm.s32 $0x6C80;
	v3 =	vadd.s32 v1, v3  }
0xf9: {  	[tilespmem:s14], [sflag:$0x1] =	stream.indirect_vreg.gather [hbm4b:s5+s3], $0x80, v4, vm0, $0xb8;
	[tilespmem:$0x18480] =	vst v63  }
0xfa: {  	s15 =	simm.s32 $0x7480  }
0xfb: {  	[tilespmem:s15], [sflag:$0x1] =	stream.indirect_vreg.gather [hbm4b:s6+s3], $0x80, v4, vm0, $0xb8;
	[tilespmem:$0x18480] =	vst v63  }
0xfc: {  	s16 =	simm.s32 $0x7C80  }
0xfd: {  	[tilespmem:s16], [sflag:$0x1] =	stream.indirect_vreg.gather [hbm4b:s1+s3], $0x80, v3, vm0, $0xb8;
	[tilespmem:$0x18480] =	vst v63  }
0xfe: {  	s17 =	simm.s32 $0x8480  }
0xff: {  	[tilespmem:s17], [sflag:$0x1] =	stream.indirect_vreg.gather [hbm4b:s5+s3], $0x80, v3, vm0, $0xb8;
	[tilespmem:$0x18480] =	vst v63  }
0x100: {  	s10 =	simm.s32 $0x8C80  }
0x101: {  	[tilespmem:s10], [sflag:$0x1] =	stream.indirect_vreg.gather [hbm4b:s6+s3], $0x80, v3, vm0, $0xb8;
	[tilespmem:$0x18480] =	vst v63  }
0x102: {  	v3 =	vld [tilespmem:$0xB0];
	_ =	sdelay $0x4  }
0x103: {  	v11 =	vshrl.u32 v3, $0x3  }
0x104: {  	v4 =	vmul.u32 $0x30, v11  }
0x105: {  	v3 =	vand.u32 $0x7, v3  }
0x106: {  	v3 =	vor.u32 v3, v4  }
0x107: {  	v4 =	vperm.xlane v3, v0;
	_ =	sdelay $0x1  }
0x108: {  	v4 =	vadd.s32 v1, v4;
	_ =	sdelay $0x3  }
0x109: {  	s11 =	simm.s32 $0x9480;
	v3 =	vperm.xlane v3, v2  }
0x10a: {  	[tilespmem:s11], [sflag:$0x1] =	stream.indirect_vreg.gather [hbm4b:s1+s3], $0x80, v4, vm0, $0xb8;
	[tilespmem:$0x18480] =	vst v63  }
0x10b: {  	s18 =	simm.s32 $0x9C80;
	v3 =	vadd.s32 v1, v3  }
0x10c: {  	[tilespmem:s18], [sflag:$0x1] =	stream.indirect_vreg.gather [hbm4b:s5+s3], $0x80, v4, vm0, $0xb8;
	[tilespmem:$0x18480] =	vst v63  }
0x10d: {  	s19 =	simm.s32 $0xA480  }
0x10e: {  	[tilespmem:s19], [sflag:$0x1] =	stream.indirect_vreg.gather [hbm4b:s6+s3], $0x80, v4, vm0, $0xb8;
	[tilespmem:$0x18480] =	vst v63  }
0x10f: {  	s20 =	simm.s32 $0xAC80  }
0x110: {  	[tilespmem:s20], [sflag:$0x1] =	stream.indirect_vreg.gather [hbm4b:s1+s3], $0x80, v3, vm0, $0xb8;
	[tilespmem:$0x18480] =	vst v63  }
0x111: {  	s21 =	simm.s32 $0xB480  }
0x112: {  	[tilespmem:s21], [sflag:$0x1] =	stream.indirect_vreg.gather [hbm4b:s5+s3], $0x80, v3, vm0, $0xb8;
	[tilespmem:$0x18480] =	vst v63  }
0x113: {  	s12 =	simm.s32 $0xBC80  }
0x114: {  	[tilespmem:s12], [sflag:$0x1] =	stream.indirect_vreg.gather [hbm4b:s6+s3], $0x80, v3, vm0, $0xb8;
	[tilespmem:$0x18480] =	vst v63  }
0x115: {  	_ =	swait.ge [sflag:s7], $0xC000  }
0x116: {  	[sflag:s7] =	ssyncset.done $0x0  }
0x117: {  	s19 =	rddreg [dreg:$0x7];
	[sflag:s7] =	ssyncadd.s32 $0xFFFF4000  }
0x118: {  	[hbm4b:s19+s3] =	stream.linear.scatter [tilespmem:s28], [sflag:$0x3], $0xC000, $0x38;
	[tilespmem:$0x18480] =	vst v63  }
0x119: {  	_ =	swait.ge [sflag:s31], $0xC000  }
0x11a: {  	[sflag:s31] =	ssyncset.done $0x0  }
0x11b: {  	[sflag:s31] =	ssyncadd.s32 $0xFFFF4000  }
0x11c: {  	v3 =	vld [tilespmem:$0xC0];
	_ =	sdelay $0x4  }
0x11d: {  	v12 =	vshrl.u32 v3, $0x3  }
0x11e: {  	v4 =	vmul.u32 $0x30, v12  }
0x11f: {  	v3 =	vand.u32 $0x7, v3  }
0x120: {  	v3 =	vor.u32 v3, v4  }
0x121: {  	v4 =	vperm.xlane v3, v0;
	_ =	sdelay $0x1  }
0x122: {  	v4 =	vadd.s32 v1, v4;
	_ =	sdelay $0x3  }
0x123: {  	v3 =	vperm.xlane v3, v2  }
0x124: {  	[tilespmem:s26], [sflag:$0x2] =	stream.indirect_vreg.gather [hbm4b:s1+s3], $0x80, v4, vm0, $0xb8;
	[tilespmem:$0x18480] =	vst v63  }
0x125: {  	s20 =	simm.s32 $0xCC80;
	v3 =	vadd.s32 v1, v3  }
0x126: {  	[tilespmem:s20], [sflag:$0x2] =	stream.indirect_vreg.gather [hbm4b:s5+s3], $0x80, v4, vm0, $0xb8;
	[tilespmem:$0x18480] =	vst v63  }
0x127: {  	s21 =	simm.s32 $0xD480  }
0x128: {  	[tilespmem:s21], [sflag:$0x2] =	stream.indirect_vreg.gather [hbm4b:s6+s3], $0x80, v4, vm0, $0xb8;
	[tilespmem:$0x18480] =	vst v63  }
0x129: {  	s22 =	simm.s32 $0xDC80  }
0x12a: {  	[tilespmem:s22], [sflag:$0x2] =	stream.indirect_vreg.gather [hbm4b:s1+s3], $0x80, v3, vm0, $0xb8;
	[tilespmem:$0x18480] =	vst v63  }
0x12b: {  	s23 =	simm.s32 $0xE480  }
0x12c: {  	[tilespmem:s23], [sflag:$0x2] =	stream.indirect_vreg.gather [hbm4b:s5+s3], $0x80, v3, vm0, $0xb8;
	[tilespmem:$0x18480] =	vst v63  }
0x12d: {  	s24 =	simm.s32 $0xEC80  }
0x12e: {  	[tilespmem:s24], [sflag:$0x2] =	stream.indirect_vreg.gather [hbm4b:s6+s3], $0x80, v3, vm0, $0xb8;
	[tilespmem:$0x18480] =	vst v63  }
0x12f: {  	v3 =	vld [tilespmem:$0xD0];
	_ =	sdelay $0x4  }
0x130: {  	v13 =	vshrl.u32 v3, $0x3  }
0x131: {  	v4 =	vmul.u32 $0x30, v13  }
0x132: {  	v3 =	vand.u32 $0x7, v3  }
0x133: {  	v3 =	vor.u32 v3, v4  }
0x134: {  	v4 =	vperm.xlane v3, v0;
	_ =	sdelay $0x1  }
0x135: {  	v4 =	vadd.s32 v1, v4;
	_ =	sdelay $0x3  }
0x136: {  	s25 =	simm.s32 $0xF480;
	v3 =	vperm.xlane v3, v2  }
0x137: {  	[tilespmem:s25], [sflag:$0x2] =	stream.indirect_vreg.gather [hbm4b:s1+s3], $0x80, v4, vm0, $0xb8;
	[tilespmem:$0x18480] =	vst v63  }
0x138: {  	s10 =	simm.s32 $0xFC80;
	v3 =	vadd.s32 v1, v3  }
0x139: {  	[tilespmem:s10], [sflag:$0x2] =	stream.indirect_vreg.gather [hbm4b:s5+s3], $0x80, v4, vm0, $0xb8;
	[tilespmem:$0x18480] =	vst v63  }
0x13a: {  	s11 =	simm.s32 $0x10480  }
0x13b: {  	[tilespmem:s11], [sflag:$0x2] =	stream.indirect_vreg.gather [hbm4b:s6+s3], $0x80, v4, vm0, $0xb8;
	[tilespmem:$0x18480] =	vst v63  }
0x13c: {  	s12 =	simm.s32 $0x10C80  }
0x13d: {  	[tilespmem:s12], [sflag:$0x2] =	stream.indirect_vreg.gather [hbm4b:s1+s3], $0x80, v3, vm0, $0xb8;
	[tilespmem:$0x18480] =	vst v63  }
0x13e: {  	s13 =	simm.s32 $0x11480  }
0x13f: {  	[tilespmem:s13], [sflag:$0x2] =	stream.indirect_vreg.gather [hbm4b:s5+s3], $0x80, v3, vm0, $0xb8;
	[tilespmem:$0x18480] =	vst v63  }
0x140: {  	s14 =	simm.s32 $0x11C80  }
0x141: {  	[tilespmem:s14], [sflag:$0x2] =	stream.indirect_vreg.gather [hbm4b:s6+s3], $0x80, v3, vm0, $0xb8;
	[tilespmem:$0x18480] =	vst v63  }
0x142: {  	v3 =	vld [tilespmem:$0xE0];
	_ =	sdelay $0x4  }
0x143: {  	v14 =	vshrl.u32 v3, $0x3  }
0x144: {  	v4 =	vmul.u32 $0x30, v14  }
0x145: {  	v3 =	vand.u32 $0x7, v3  }
0x146: {  	v3 =	vor.u32 v3, v4  }
0x147: {  	v4 =	vperm.xlane v3, v0;
	_ =	sdelay $0x1  }
0x148: {  	v4 =	vadd.s32 v1, v4;
	_ =	sdelay $0x3  }
0x149: {  	s15 =	simm.s32 $0x12480;
	v3 =	vperm.xlane v3, v2  }
0x14a: {  	[tilespmem:s15], [sflag:$0x2] =	stream.indirect_vreg.gather [hbm4b:s1+s3], $0x80, v4, vm0, $0xb8;
	[tilespmem:$0x18480] =	vst v63  }
0x14b: {  	s16 =	simm.s32 $0x12C80;
	v3 =	vadd.s32 v1, v3  }
0x14c: {  	[tilespmem:s16], [sflag:$0x2] =	stream.indirect_vreg.gather [hbm4b:s5+s3], $0x80, v4, vm0, $0xb8;
	[tilespmem:$0x18480] =	vst v63  }
0x14d: {  	s17 =	simm.s32 $0x13480  }
0x14e: {  	[tilespmem:s17], [sflag:$0x2] =	stream.indirect_vreg.gather [hbm4b:s6+s3], $0x80, v4, vm0, $0xb8;
	[tilespmem:$0x18480] =	vst v63  }
0x14f: {  	s18 =	simm.s32 $0x13C80  }
0x150: {  	[tilespmem:s18], [sflag:$0x2] =	stream.indirect_vreg.gather [hbm4b:s1+s3], $0x80, v3, vm0, $0xb8;
	[tilespmem:$0x18480] =	vst v63  }
0x151: {  	s19 =	simm.s32 $0x14480  }
0x152: {  	[tilespmem:s19], [sflag:$0x2] =	stream.indirect_vreg.gather [hbm4b:s5+s3], $0x80, v3, vm0, $0xb8;
	[tilespmem:$0x18480] =	vst v63  }
0x153: {  	s20 =	simm.s32 $0x14C80  }
0x154: {  	[tilespmem:s20], [sflag:$0x2] =	stream.indirect_vreg.gather [hbm4b:s6+s3], $0x80, v3, vm0, $0xb8;
	[tilespmem:$0x18480] =	vst v63  }
0x155: {  	v3 =	vld [tilespmem:$0xF0];
	_ =	sdelay $0x4  }
0x156: {  	v15 =	vshrl.u32 v3, $0x3  }
0x157: {  	v4 =	vmul.u32 $0x30, v15  }
0x158: {  	v3 =	vand.u32 $0x7, v3  }
0x159: {  	v3 =	vor.u32 v3, v4  }
0x15a: {  	v4 =	vperm.xlane v3, v0;
	_ =	sdelay $0x1  }
0x15b: {  	v4 =	vadd.s32 v1, v4;
	_ =	sdelay $0x3  }
0x15c: {  	s21 =	simm.s32 $0x15480;
	v3 =	vperm.xlane v3, v2  }
0x15d: {  	[tilespmem:s21], [sflag:$0x2] =	stream.indirect_vreg.gather [hbm4b:s1+s3], $0x80, v4, vm0, $0xb8;
	[tilespmem:$0x18480] =	vst v63  }
0x15e: {  	s18 =	simm.s32 $0x15C80;
	v3 =	vadd.s32 v1, v3  }
0x15f: {  	[tilespmem:s18], [sflag:$0x2] =	stream.indirect_vreg.gather [hbm4b:s5+s3], $0x80, v4, vm0, $0xb8;
	[tilespmem:$0x18480] =	vst v63  }
0x160: {  	s19 =	simm.s32 $0x16480  }
0x161: {  	[tilespmem:s19], [sflag:$0x2] =	stream.indirect_vreg.gather [hbm4b:s6+s3], $0x80, v4, vm0, $0xb8;
	[tilespmem:$0x18480] =	vst v63  }
0x162: {  	s20 =	simm.s32 $0x16C80  }
0x163: {  	[tilespmem:s20], [sflag:$0x2] =	stream.indirect_vreg.gather [hbm4b:s1+s3], $0x80, v3, vm0, $0xb8;
	[tilespmem:$0x18480] =	vst v63  }
0x164: {  	s21 =	simm.s32 $0x17480  }
0x165: {  	[tilespmem:s21], [sflag:$0x2] =	stream.indirect_vreg.gather [hbm4b:s5+s3], $0x80, v3, vm0, $0xb8;
	[tilespmem:$0x18480] =	vst v63  }
0x166: {  	s0 =	simm.s32 $0x17C80  }
0x167: {  	[tilespmem:s0], [sflag:$0x2] =	stream.indirect_vreg.gather [hbm4b:s6+s3], $0x80, v3, vm0, $0xb8;
	[tilespmem:$0x18480] =	vst v63  }
0x168: {  	_ =	swait.ge [sflag:s29], $0xC000  }
0x169: {  	[sflag:s29] =	ssyncset.done $0x0  }
0x16a: {  	s0 =	rddreg [dreg:$0x8];
	[sflag:s29] =	ssyncadd.s32 $0xFFFF4000  }
0x16b: {  	[hbm4b:s0+s3] =	stream.linear.scatter [tilespmem:s26], [sflag:$0x4], $0xC000, $0x38;
	[tilespmem:$0x18480] =	vst v63  }
0x16c: {  	_ =	swait.ge [sflag:s30], $0xC000  }
0x16d: {  	[sflag:s30] =	ssyncset.done $0x0  }
0x16e: {  	[sflag:s30] =	ssyncadd.s32 $0xFFFF4000  }
0x16f: {  	v3 =	vld [tilespmem:$0x100];
	_ =	sdelay $0x4  }
0x170: {  	v16 =	vshrl.u32 v3, $0x3  }
0x171: {  	v4 =	vmul.u32 $0x30, v16  }
0x172: {  	v3 =	vand.u32 $0x7, v3  }
0x173: {  	v3 =	vor.u32 v3, v4  }
0x174: {  	v4 =	vperm.xlane v3, v0;
	_ =	sdelay $0x1  }
0x175: {  	v4 =	vadd.s32 v1, v4;
	_ =	sdelay $0x3  }
0x176: {  	v3 =	vperm.xlane v3, v2  }
0x177: {  	[tilespmem:s28], [sflag:$0x1] =	stream.indirect_vreg.gather [hbm4b:s1+s3], $0x80, v4, vm0, $0xb8;
	[tilespmem:$0x18480] =	vst v63  }
0x178: {  	s0 =	simm.s32 $0xC80;
	v3 =	vadd.s32 v1, v3  }
0x179: {  	[tilespmem:s0], [sflag:$0x1] =	stream.indirect_vreg.gather [hbm4b:s5+s3], $0x80, v4, vm0, $0xb8;
	[tilespmem:$0x18480] =	vst v63  }
0x17a: {  	s0 =	simm.s32 $0x1480  }
0x17b: {  	[tilespmem:s0], [sflag:$0x1] =	stream.indirect_vreg.gather [hbm4b:s6+s3], $0x80, v4, vm0, $0xb8;
	[tilespmem:$0x18480] =	vst v63  }
0x17c: {  	s0 =	simm.s32 $0x1C80  }
0x17d: {  	[tilespmem:s0], [sflag:$0x1] =	stream.indirect_vreg.gather [hbm4b:s1+s3], $0x80, v3, vm0, $0xb8;
	[tilespmem:$0x18480] =	vst v63  }
0x17e: {  	s0 =	simm.s32 $0x2480  }
0x17f: {  	[tilespmem:s0], [sflag:$0x1] =	stream.indirect_vreg.gather [hbm4b:s5+s3], $0x80, v3, vm0, $0xb8;
	[tilespmem:$0x18480] =	vst v63  }
0x180: {  	s0 =	simm.s32 $0x2C80  }
0x181: {  	[tilespmem:s0], [sflag:$0x1] =	stream.indirect_vreg.gather [hbm4b:s6+s3], $0x80, v3, vm0, $0xb8;
	[tilespmem:$0x18480] =	vst v63  }
0x182: {  	v3 =	vld [tilespmem:$0x110];
	_ =	sdelay $0x4  }
0x183: {  	v17 =	vshrl.u32 v3, $0x3  }
0x184: {  	v4 =	vmul.u32 $0x30, v17  }
0x185: {  	v3 =	vand.u32 $0x7, v3  }
0x186: {  	v3 =	vor.u32 v3, v4  }
0x187: {  	v4 =	vperm.xlane v3, v0;
	_ =	sdelay $0x1  }
0x188: {  	v4 =	vadd.s32 v1, v4;
	_ =	sdelay $0x3  }
0x189: {  	s0 =	simm.s32 $0x3480;
	v3 =	vperm.xlane v3, v2  }
0x18a: {  	[tilespmem:s0], [sflag:$0x1] =	stream.indirect_vreg.gather [hbm4b:s1+s3], $0x80, v4, vm0, $0xb8;
	[tilespmem:$0x18480] =	vst v63  }
0x18b: {  	v3 =	vadd.s32 v1, v3;
	s0 =	simm.s32 $0x3C80  }
0x18c: {  	[tilespmem:s0], [sflag:$0x1] =	stream.indirect_vreg.gather [hbm4b:s5+s3], $0x80, v4, vm0, $0xb8;
	[tilespmem:$0x18480] =	vst v63  }
0x18d: {  	s0 =	simm.s32 $0x4480  }
0x18e: {  	[tilespmem:s0], [sflag:$0x1] =	stream.indirect_vreg.gather [hbm4b:s6+s3], $0x80, v4, vm0, $0xb8;
	[tilespmem:$0x18480] =	vst v63  }
0x18f: {  	s0 =	simm.s32 $0x4C80  }
0x190: {  	[tilespmem:s0], [sflag:$0x1] =	stream.indirect_vreg.gather [hbm4b:s1+s3], $0x80, v3, vm0, $0xb8;
	[tilespmem:$0x18480] =	vst v63  }
0x191: {  	s0 =	simm.s32 $0x5480  }
0x192: {  	[tilespmem:s0], [sflag:$0x1] =	stream.indirect_vreg.gather [hbm4b:s5+s3], $0x80, v3, vm0, $0xb8;
	[tilespmem:$0x18480] =	vst v63  }
0x193: {  	s0 =	simm.s32 $0x5C80  }
0x194: {  	[tilespmem:s0], [sflag:$0x1] =	stream.indirect_vreg.gather [hbm4b:s6+s3], $0x80, v3, vm0, $0xb8;
	[tilespmem:$0x18480] =	vst v63  }
0x195: {  	v3 =	vld [tilespmem:$0x120];
	_ =	sdelay $0x4  }
0x196: {  	v18 =	vshrl.u32 v3, $0x3  }
0x197: {  	v4 =	vmul.u32 $0x30, v18  }
0x198: {  	v3 =	vand.u32 $0x7, v3  }
0x199: {  	v3 =	vor.u32 v3, v4  }
0x19a: {  	v4 =	vperm.xlane v3, v0;
	_ =	sdelay $0x1  }
0x19b: {  	v4 =	vadd.s32 v1, v4;
	_ =	sdelay $0x3  }
0x19c: {  	s0 =	simm.s32 $0x6480;
	v3 =	vperm.xlane v3, v2  }
0x19d: {  	[tilespmem:s0], [sflag:$0x1] =	stream.indirect_vreg.gather [hbm4b:s1+s3], $0x80, v4, vm0, $0xb8;
	[tilespmem:$0x18480] =	vst v63  }
0x19e: {  	v3 =	vadd.s32 v1, v3;
	s0 =	simm.s32 $0x6C80  }
0x19f: {  	[tilespmem:s0], [sflag:$0x1] =	stream.indirect_vreg.gather [hbm4b:s5+s3], $0x80, v4, vm0, $0xb8;
	[tilespmem:$0x18480] =	vst v63  }
0x1a0: {  	s0 =	simm.s32 $0x7480  }
0x1a1: {  	[tilespmem:s0], [sflag:$0x1] =	stream.indirect_vreg.gather [hbm4b:s6+s3], $0x80, v4, vm0, $0xb8;
	[tilespmem:$0x18480] =	vst v63  }
0x1a2: {  	s0 =	simm.s32 $0x7C80  }
0x1a3: {  	[tilespmem:s0], [sflag:$0x1] =	stream.indirect_vreg.gather [hbm4b:s1+s3], $0x80, v3, vm0, $0xb8;
	[tilespmem:$0x18480] =	vst v63  }
0x1a4: {  	s0 =	simm.s32 $0x8480  }
0x1a5: {  	[tilespmem:s0], [sflag:$0x1] =	stream.indirect_vreg.gather [hbm4b:s5+s3], $0x80, v3, vm0, $0xb8;
	[tilespmem:$0x18480] =	vst v63  }
0x1a6: {  	s0 =	simm.s32 $0x8C80  }
0x1a7: {  	[tilespmem:s0], [sflag:$0x1] =	stream.indirect_vreg.gather [hbm4b:s6+s3], $0x80, v3, vm0, $0xb8;
	[tilespmem:$0x18480] =	vst v63  }
0x1a8: {  	v3 =	vld [tilespmem:$0x130];
	_ =	sdelay $0x4  }
0x1a9: {  	v19 =	vshrl.u32 v3, $0x3  }
0x1aa: {  	v4 =	vmul.u32 $0x30, v19  }
0x1ab: {  	v3 =	vand.u32 $0x7, v3  }
0x1ac: {  	v3 =	vor.u32 v3, v4  }
0x1ad: {  	v4 =	vperm.xlane v3, v0;
	_ =	sdelay $0x1  }
0x1ae: {  	v4 =	vadd.s32 v1, v4;
	_ =	sdelay $0x3  }
0x1af: {  	s0 =	simm.s32 $0x9480;
	v3 =	vperm.xlane v3, v2  }
0x1b0: {  	[tilespmem:s0], [sflag:$0x1] =	stream.indirect_vreg.gather [hbm4b:s1+s3], $0x80, v4, vm0, $0xb8;
	[tilespmem:$0x18480] =	vst v63  }
0x1b1: {  	v3 =	vadd.s32 v1, v3;
	s0 =	simm.s32 $0x9C80  }
0x1b2: {  	[tilespmem:s0], [sflag:$0x1] =	stream.indirect_vreg.gather [hbm4b:s5+s3], $0x80, v4, vm0, $0xb8;
	[tilespmem:$0x18480] =	vst v63  }
0x1b3: {  	s0 =	simm.s32 $0xA480  }
0x1b4: {  	[tilespmem:s0], [sflag:$0x1] =	stream.indirect_vreg.gather [hbm4b:s6+s3], $0x80, v4, vm0, $0xb8;
	[tilespmem:$0x18480] =	vst v63  }
0x1b5: {  	s0 =	simm.s32 $0xAC80  }
0x1b6: {  	[tilespmem:s0], [sflag:$0x1] =	stream.indirect_vreg.gather [hbm4b:s1+s3], $0x80, v3, vm0, $0xb8;
	[tilespmem:$0x18480] =	vst v63  }
0x1b7: {  	s0 =	simm.s32 $0xB480  }
0x1b8: {  	[tilespmem:s0], [sflag:$0x1] =	stream.indirect_vreg.gather [hbm4b:s5+s3], $0x80, v3, vm0, $0xb8;
	[tilespmem:$0x18480] =	vst v63  }
0x1b9: {  	s0 =	simm.s32 $0xBC80  }
0x1ba: {  	[tilespmem:s0], [sflag:$0x1] =	stream.indirect_vreg.gather [hbm4b:s6+s3], $0x80, v3, vm0, $0xb8;
	[tilespmem:$0x18480] =	vst v63  }
0x1bb: {  	_ =	swait.ge [sflag:s7], $0xC000  }
0x1bc: {  	[sflag:s7] =	ssyncset.done $0x0  }
0x1bd: {  	s0 =	rddreg [dreg:$0x9];
	[sflag:s7] =	ssyncadd.s32 $0xFFFF4000  }
0x1be: {  	[hbm4b:s0+s3] =	stream.linear.scatter [tilespmem:s28], [sflag:$0x3], $0xC000, $0x38;
	[tilespmem:$0x18480] =	vst v63  }
0x1bf: {  	_ =	swait.ge [sflag:s31], $0xC000  }
0x1c0: {  	[sflag:s31] =	ssyncset.done $0x0  }
0x1c1: {  	[sflag:s31] =	ssyncadd.s32 $0xFFFF4000  }
0x1c2: {  	v3 =	vld [tilespmem:$0x140];
	_ =	sdelay $0x4  }
0x1c3: {  	v20 =	vshrl.u32 v3, $0x3  }
0x1c4: {  	v4 =	vmul.u32 $0x30, v20  }
0x1c5: {  	v3 =	vand.u32 $0x7, v3  }
0x1c6: {  	v3 =	vor.u32 v3, v4  }
0x1c7: {  	v4 =	vperm.xlane v3, v0;
	_ =	sdelay $0x1  }
0x1c8: {  	v4 =	vadd.s32 v1, v4;
	_ =	sdelay $0x3  }
0x1c9: {  	v3 =	vperm.xlane v3, v2  }
0x1ca: {  	[tilespmem:s26], [sflag:$0x2] =	stream.indirect_vreg.gather [hbm4b:s1+s3], $0x80, v4, vm0, $0xb8;
	[tilespmem:$0x18480] =	vst v63  }
0x1cb: {  	s2 =	simm.s32 $0xCC80;
	v3 =	vadd.s32 v1, v3  }
0x1cc: {  	[tilespmem:s2], [sflag:$0x2] =	stream.indirect_vreg.gather [hbm4b:s5+s3], $0x80, v4, vm0, $0xb8;
	[tilespmem:$0x18480] =	vst v63  }
0x1cd: {  	s4 =	simm.s32 $0xD480  }
0x1ce: {  	[tilespmem:s4], [sflag:$0x2] =	stream.indirect_vreg.gather [hbm4b:s6+s3], $0x80, v4, vm0, $0xb8;
	[tilespmem:$0x18480] =	vst v63  }
0x1cf: {  	s8 =	simm.s32 $0xDC80  }
0x1d0: {  	[tilespmem:s8], [sflag:$0x2] =	stream.indirect_vreg.gather [hbm4b:s1+s3], $0x80, v3, vm0, $0xb8;
	[tilespmem:$0x18480] =	vst v63  }
0x1d1: {  	s9 =	simm.s32 $0xE480  }
0x1d2: {  	[tilespmem:s9], [sflag:$0x2] =	stream.indirect_vreg.gather [hbm4b:s5+s3], $0x80, v3, vm0, $0xb8;
	[tilespmem:$0x18480] =	vst v63  }
0x1d3: {  	s22 =	simm.s32 $0xEC80  }
0x1d4: {  	[tilespmem:s22], [sflag:$0x2] =	stream.indirect_vreg.gather [hbm4b:s6+s3], $0x80, v3, vm0, $0xb8;
	[tilespmem:$0x18480] =	vst v63  }
0x1d5: {  	v3 =	vld [tilespmem:$0x150];
	_ =	sdelay $0x4  }
0x1d6: {  	v21 =	vshrl.u32 v3, $0x3  }
0x1d7: {  	v4 =	vmul.u32 $0x30, v21  }
0x1d8: {  	v3 =	vand.u32 $0x7, v3  }
0x1d9: {  	v3 =	vor.u32 v3, v4  }
0x1da: {  	v4 =	vperm.xlane v3, v0;
	_ =	sdelay $0x1  }
0x1db: {  	v4 =	vadd.s32 v1, v4;
	_ =	sdelay $0x3  }
0x1dc: {  	s2 =	simm.s32 $0xF480;
	v3 =	vperm.xlane v3, v2  }
0x1dd: {  	[tilespmem:s2], [sflag:$0x2] =	stream.indirect_vreg.gather [hbm4b:s1+s3], $0x80, v4, vm0, $0xb8;
	[tilespmem:$0x18480] =	vst v63  }
0x1de: {  	s10 =	simm.s32 $0xFC80;
	v3 =	vadd.s32 v1, v3  }
0x1df: {  	[tilespmem:s10], [sflag:$0x2] =	stream.indirect_vreg.gather [hbm4b:s5+s3], $0x80, v4, vm0, $0xb8;
	[tilespmem:$0x18480] =	vst v63  }
0x1e0: {  	s11 =	simm.s32 $0x10480  }
0x1e1: {  	[tilespmem:s11], [sflag:$0x2] =	stream.indirect_vreg.gather [hbm4b:s6+s3], $0x80, v4, vm0, $0xb8;
	[tilespmem:$0x18480] =	vst v63  }
0x1e2: {  	s12 =	simm.s32 $0x10C80  }
0x1e3: {  	[tilespmem:s12], [sflag:$0x2] =	stream.indirect_vreg.gather [hbm4b:s1+s3], $0x80, v3, vm0, $0xb8;
	[tilespmem:$0x18480] =	vst v63  }
0x1e4: {  	s13 =	simm.s32 $0x11480  }
0x1e5: {  	[tilespmem:s13], [sflag:$0x2] =	stream.indirect_vreg.gather [hbm4b:s5+s3], $0x80, v3, vm0, $0xb8;
	[tilespmem:$0x18480] =	vst v63  }
0x1e6: {  	s23 =	simm.s32 $0x11C80  }
0x1e7: {  	[tilespmem:s23], [sflag:$0x2] =	stream.indirect_vreg.gather [hbm4b:s6+s3], $0x80, v3, vm0, $0xb8;
	[tilespmem:$0x18480] =	vst v63  }
0x1e8: {  	v3 =	vld [tilespmem:$0x160];
	_ =	sdelay $0x4  }
0x1e9: {  	v22 =	vshrl.u32 v3, $0x3  }
0x1ea: {  	v4 =	vmul.u32 $0x30, v22  }
0x1eb: {  	v3 =	vand.u32 $0x7, v3  }
0x1ec: {  	v3 =	vor.u32 v3, v4  }
0x1ed: {  	v4 =	vperm.xlane v3, v0;
	_ =	sdelay $0x1  }
0x1ee: {  	v4 =	vadd.s32 v1, v4;
	_ =	sdelay $0x3  }
0x1ef: {  	s24 =	simm.s32 $0x12480;
	v3 =	vperm.xlane v3, v2  }
0x1f0: {  	[tilespmem:s24], [sflag:$0x2] =	stream.indirect_vreg.gather [hbm4b:s1+s3], $0x80, v4, vm0, $0xb8;
	[tilespmem:$0x18480] =	vst v63  }
0x1f1: {  	s14 =	simm.s32 $0x12C80;
	v3 =	vadd.s32 v1, v3  }
0x1f2: {  	[tilespmem:s14], [sflag:$0x2] =	stream.indirect_vreg.gather [hbm4b:s5+s3], $0x80, v4, vm0, $0xb8;
	[tilespmem:$0x18480] =	vst v63  }
0x1f3: {  	s15 =	simm.s32 $0x13480  }
0x1f4: {  	[tilespmem:s15], [sflag:$0x2] =	stream.indirect_vreg.gather [hbm4b:s6+s3], $0x80, v4, vm0, $0xb8;
	[tilespmem:$0x18480] =	vst v63  }
0x1f5: {  	s16 =	simm.s32 $0x13C80  }
0x1f6: {  	[tilespmem:s16], [sflag:$0x2] =	stream.indirect_vreg.gather [hbm4b:s1+s3], $0x80, v3, vm0, $0xb8;
	[tilespmem:$0x18480] =	vst v63  }
0x1f7: {  	s17 =	simm.s32 $0x14480  }
0x1f8: {  	[tilespmem:s17], [sflag:$0x2] =	stream.indirect_vreg.gather [hbm4b:s5+s3], $0x80, v3, vm0, $0xb8;
	[tilespmem:$0x18480] =	vst v63  }
0x1f9: {  	s25 =	simm.s32 $0x14C80  }
0x1fa: {  	[tilespmem:s25], [sflag:$0x2] =	stream.indirect_vreg.gather [hbm4b:s6+s3], $0x80, v3, vm0, $0xb8;
	[tilespmem:$0x18480] =	vst v63  }
0x1fb: {  	v3 =	vld [tilespmem:$0x170];
	_ =	sdelay $0x4  }
0x1fc: {  	v23 =	vshrl.u32 v3, $0x3  }
0x1fd: {  	v4 =	vmul.u32 $0x30, v23  }
0x1fe: {  	v3 =	vand.u32 $0x7, v3  }
0x1ff: {  	v3 =	vor.u32 v3, v4  }
0x200: {  	v4 =	vperm.xlane v3, v0;
	_ =	sdelay $0x1  }
0x201: {  	v4 =	vadd.s32 v1, v4;
	_ =	sdelay $0x3  }
0x202: {  	s0 =	simm.s32 $0x15480;
	v3 =	vperm.xlane v3, v2  }
0x203: {  	[tilespmem:s0], [sflag:$0x2] =	stream.indirect_vreg.gather [hbm4b:s1+s3], $0x80, v4, vm0, $0xb8;
	[tilespmem:$0x18480] =	vst v63  }
0x204: {  	s18 =	simm.s32 $0x15C80;
	v3 =	vadd.s32 v1, v3  }
0x205: {  	[tilespmem:s18], [sflag:$0x2] =	stream.indirect_vreg.gather [hbm4b:s5+s3], $0x80, v4, vm0, $0xb8;
	[tilespmem:$0x18480] =	vst v63  }
0x206: {  	s19 =	simm.s32 $0x16480  }
0x207: {  	[tilespmem:s19], [sflag:$0x2] =	stream.indirect_vreg.gather [hbm4b:s6+s3], $0x80, v4, vm0, $0xb8;
	[tilespmem:$0x18480] =	vst v63  }
0x208: {  	s20 =	simm.s32 $0x16C80  }
0x209: {  	[tilespmem:s20], [sflag:$0x2] =	stream.indirect_vreg.gather [hbm4b:s1+s3], $0x80, v3, vm0, $0xb8;
	[tilespmem:$0x18480] =	vst v63  }
0x20a: {  	s21 =	simm.s32 $0x17480  }
0x20b: {  	[tilespmem:s21], [sflag:$0x2] =	stream.indirect_vreg.gather [hbm4b:s5+s3], $0x80, v3, vm0, $0xb8;
	[tilespmem:$0x18480] =	vst v63  }
0x20c: {  	s0 =	simm.s32 $0x17C80  }
0x20d: {  	[tilespmem:s0], [sflag:$0x2] =	stream.indirect_vreg.gather [hbm4b:s6+s3], $0x80, v3, vm0, $0xb8;
	[tilespmem:$0x18480] =	vst v63  }
0x20e: {  	_ =	swait.ge [sflag:s29], $0xC000  }
0x20f: {  	[sflag:s29] =	ssyncset.done $0x0  }
0x210: {  	s0 =	rddreg [dreg:$0xa];
	[sflag:s29] =	ssyncadd.s32 $0xFFFF4000  }
0x211: {  	[hbm4b:s0+s3] =	stream.linear.scatter [tilespmem:s26], [sflag:$0x4], $0xC000, $0x38;
	[tilespmem:$0x18480] =	vst v63  }
0x212: {  	_ =	swait.ge [sflag:s30], $0xC000  }
0x213: {  	[sflag:s30] =	ssyncset.done $0x0  }
0x214: {  	[sflag:s30] =	ssyncadd.s32 $0xFFFF4000  }
0x215: {  	v3 =	vld [tilespmem:$0x180];
	_ =	sdelay $0x4  }
0x216: {  	v24 =	vshrl.u32 v3, $0x3  }
0x217: {  	v4 =	vmul.u32 $0x30, v24  }
0x218: {  	v3 =	vand.u32 $0x7, v3  }
0x219: {  	v3 =	vor.u32 v3, v4  }
0x21a: {  	v4 =	vperm.xlane v3, v0;
	_ =	sdelay $0x1  }
0x21b: {  	v4 =	vadd.s32 v1, v4;
	_ =	sdelay $0x3  }
0x21c: {  	v3 =	vperm.xlane v3, v2  }
0x21d: {  	[tilespmem:s28], [sflag:$0x1] =	stream.indirect_vreg.gather [hbm4b:s1+s3], $0x80, v4, vm0, $0xb8;
	[tilespmem:$0x18480] =	vst v63  }
0x21e: {  	s0 =	simm.s32 $0xC80;
	v3 =	vadd.s32 v1, v3  }
0x21f: {  	[tilespmem:s0], [sflag:$0x1] =	stream.indirect_vreg.gather [hbm4b:s5+s3], $0x80, v4, vm0, $0xb8;
	[tilespmem:$0x18480] =	vst v63  }
0x220: {  	s0 =	simm.s32 $0x1480  }
0x221: {  	[tilespmem:s0], [sflag:$0x1] =	stream.indirect_vreg.gather [hbm4b:s6+s3], $0x80, v4, vm0, $0xb8;
	[tilespmem:$0x18480] =	vst v63  }
0x222: {  	s0 =	simm.s32 $0x1C80  }
0x223: {  	[tilespmem:s0], [sflag:$0x1] =	stream.indirect_vreg.gather [hbm4b:s1+s3], $0x80, v3, vm0, $0xb8;
	[tilespmem:$0x18480] =	vst v63  }
0x224: {  	s0 =	simm.s32 $0x2480  }
0x225: {  	[tilespmem:s0], [sflag:$0x1] =	stream.indirect_vreg.gather [hbm4b:s5+s3], $0x80, v3, vm0, $0xb8;
	[tilespmem:$0x18480] =	vst v63  }
0x226: {  	s0 =	simm.s32 $0x2C80  }
0x227: {  	[tilespmem:s0], [sflag:$0x1] =	stream.indirect_vreg.gather [hbm4b:s6+s3], $0x80, v3, vm0, $0xb8;
	[tilespmem:$0x18480] =	vst v63  }
0x228: {  	v3 =	vld [tilespmem:$0x190];
	_ =	sdelay $0x4  }
0x229: {  	v25 =	vshrl.u32 v3, $0x3  }
0x22a: {  	v4 =	vmul.u32 $0x30, v25  }
0x22b: {  	v3 =	vand.u32 $0x7, v3  }
0x22c: {  	v3 =	vor.u32 v3, v4  }
0x22d: {  	v4 =	vperm.xlane v3, v0;
	_ =	sdelay $0x1  }
0x22e: {  	v4 =	vadd.s32 v1, v4;
	_ =	sdelay $0x3  }
0x22f: {  	s0 =	simm.s32 $0x3480;
	v3 =	vperm.xlane v3, v2  }
0x230: {  	[tilespmem:s0], [sflag:$0x1] =	stream.indirect_vreg.gather [hbm4b:s1+s3], $0x80, v4, vm0, $0xb8;
	[tilespmem:$0x18480] =	vst v63  }
0x231: {  	v3 =	vadd.s32 v1, v3;
	s0 =	simm.s32 $0x3C80  }
0x232: {  	[tilespmem:s0], [sflag:$0x1] =	stream.indirect_vreg.gather [hbm4b:s5+s3], $0x80, v4, vm0, $0xb8;
	[tilespmem:$0x18480] =	vst v63  }
0x233: {  	s0 =	simm.s32 $0x4480  }
0x234: {  	[tilespmem:s0], [sflag:$0x1] =	stream.indirect_vreg.gather [hbm4b:s6+s3], $0x80, v4, vm0, $0xb8;
	[tilespmem:$0x18480] =	vst v63  }
0x235: {  	s0 =	simm.s32 $0x4C80  }
0x236: {  	[tilespmem:s0], [sflag:$0x1] =	stream.indirect_vreg.gather [hbm4b:s1+s3], $0x80, v3, vm0, $0xb8;
	[tilespmem:$0x18480] =	vst v63  }
0x237: {  	s0 =	simm.s32 $0x5480  }
0x238: {  	[tilespmem:s0], [sflag:$0x1] =	stream.indirect_vreg.gather [hbm4b:s5+s3], $0x80, v3, vm0, $0xb8;
	[tilespmem:$0x18480] =	vst v63  }
0x239: {  	s0 =	simm.s32 $0x5C80  }
0x23a: {  	[tilespmem:s0], [sflag:$0x1] =	stream.indirect_vreg.gather [hbm4b:s6+s3], $0x80, v3, vm0, $0xb8;
	[tilespmem:$0x18480] =	vst v63  }
0x23b: {  	v3 =	vld [tilespmem:$0x1A0];
	_ =	sdelay $0x4  }
0x23c: {  	v26 =	vshrl.u32 v3, $0x3  }
0x23d: {  	v4 =	vmul.u32 $0x30, v26  }
0x23e: {  	v3 =	vand.u32 $0x7, v3  }
0x23f: {  	v3 =	vor.u32 v3, v4  }
0x240: {  	v4 =	vperm.xlane v3, v0;
	_ =	sdelay $0x1  }
0x241: {  	v4 =	vadd.s32 v1, v4;
	_ =	sdelay $0x3  }
0x242: {  	s0 =	simm.s32 $0x6480;
	v3 =	vperm.xlane v3, v2  }
0x243: {  	[tilespmem:s0], [sflag:$0x1] =	stream.indirect_vreg.gather [hbm4b:s1+s3], $0x80, v4, vm0, $0xb8;
	[tilespmem:$0x18480] =	vst v63  }
0x244: {  	v3 =	vadd.s32 v1, v3;
	s0 =	simm.s32 $0x6C80  }
0x245: {  	[tilespmem:s0], [sflag:$0x1] =	stream.indirect_vreg.gather [hbm4b:s5+s3], $0x80, v4, vm0, $0xb8;
	[tilespmem:$0x18480] =	vst v63  }
0x246: {  	s0 =	simm.s32 $0x7480  }
0x247: {  	[tilespmem:s0], [sflag:$0x1] =	stream.indirect_vreg.gather [hbm4b:s6+s3], $0x80, v4, vm0, $0xb8;
	[tilespmem:$0x18480] =	vst v63  }
0x248: {  	s0 =	simm.s32 $0x7C80  }
0x249: {  	[tilespmem:s0], [sflag:$0x1] =	stream.indirect_vreg.gather [hbm4b:s1+s3], $0x80, v3, vm0, $0xb8;
	[tilespmem:$0x18480] =	vst v63  }
0x24a: {  	s0 =	simm.s32 $0x8480  }
0x24b: {  	[tilespmem:s0], [sflag:$0x1] =	stream.indirect_vreg.gather [hbm4b:s5+s3], $0x80, v3, vm0, $0xb8;
	[tilespmem:$0x18480] =	vst v63  }
0x24c: {  	s0 =	simm.s32 $0x8C80  }
0x24d: {  	[tilespmem:s0], [sflag:$0x1] =	stream.indirect_vreg.gather [hbm4b:s6+s3], $0x80, v3, vm0, $0xb8;
	[tilespmem:$0x18480] =	vst v63  }
0x24e: {  	v3 =	vld [tilespmem:$0x1B0];
	_ =	sdelay $0x4  }
0x24f: {  	v27 =	vshrl.u32 v3, $0x3  }
0x250: {  	v4 =	vmul.u32 $0x30, v27  }
0x251: {  	v3 =	vand.u32 $0x7, v3  }
0x252: {  	v3 =	vor.u32 v3, v4  }
0x253: {  	v4 =	vperm.xlane v3, v0;
	_ =	sdelay $0x1  }
0x254: {  	v4 =	vadd.s32 v1, v4;
	_ =	sdelay $0x3  }
0x255: {  	s0 =	simm.s32 $0x9480;
	v3 =	vperm.xlane v3, v2  }
0x256: {  	[tilespmem:s0], [sflag:$0x1] =	stream.indirect_vreg.gather [hbm4b:s1+s3], $0x80, v4, vm0, $0xb8;
	[tilespmem:$0x18480] =	vst v63  }
0x257: {  	v3 =	vadd.s32 v1, v3;
	s0 =	simm.s32 $0x9C80  }
0x258: {  	[tilespmem:s0], [sflag:$0x1] =	stream.indirect_vreg.gather [hbm4b:s5+s3], $0x80, v4, vm0, $0xb8;
	[tilespmem:$0x18480] =	vst v63  }
0x259: {  	s0 =	simm.s32 $0xA480  }
0x25a: {  	[tilespmem:s0], [sflag:$0x1] =	stream.indirect_vreg.gather [hbm4b:s6+s3], $0x80, v4, vm0, $0xb8;
	[tilespmem:$0x18480] =	vst v63  }
0x25b: {  	s0 =	simm.s32 $0xAC80  }
0x25c: {  	[tilespmem:s0], [sflag:$0x1] =	stream.indirect_vreg.gather [hbm4b:s1+s3], $0x80, v3, vm0, $0xb8;
	[tilespmem:$0x18480] =	vst v63  }
0x25d: {  	s0 =	simm.s32 $0xB480  }
0x25e: {  	[tilespmem:s0], [sflag:$0x1] =	stream.indirect_vreg.gather [hbm4b:s5+s3], $0x80, v3, vm0, $0xb8;
	[tilespmem:$0x18480] =	vst v63  }
0x25f: {  	s0 =	simm.s32 $0xBC80  }
0x260: {  	[tilespmem:s0], [sflag:$0x1] =	stream.indirect_vreg.gather [hbm4b:s6+s3], $0x80, v3, vm0, $0xb8;
	[tilespmem:$0x18480] =	vst v63  }
0x261: {  	_ =	swait.ge [sflag:s7], $0xC000  }
0x262: {  	[sflag:s7] =	ssyncset.done $0x0  }
0x263: {  	s0 =	rddreg [dreg:$0xb];
	[sflag:s7] =	ssyncadd.s32 $0xFFFF4000  }
0x264: {  	[hbm4b:s0+s3] =	stream.linear.scatter [tilespmem:s28], [sflag:$0x3], $0xC000, $0x38;
	[tilespmem:$0x18480] =	vst v63  }
0x265: {  	_ =	swait.ge [sflag:s31], $0xC000  }
0x266: {  	[sflag:s31] =	ssyncset.done $0x0  }
0x267: {  	[sflag:s31] =	ssyncadd.s32 $0xFFFF4000  }
0x268: {  	v3 =	vld [tilespmem:$0x1C0];
	_ =	sdelay $0x4  }
0x269: {  	v28 =	vshrl.u32 v3, $0x3  }
0x26a: {  	v4 =	vmul.u32 $0x30, v28  }
0x26b: {  	v3 =	vand.u32 $0x7, v3  }
0x26c: {  	v3 =	vor.u32 v3, v4  }
0x26d: {  	v4 =	vperm.xlane v3, v0;
	_ =	sdelay $0x1  }
0x26e: {  	v4 =	vadd.s32 v1, v4;
	_ =	sdelay $0x3  }
0x26f: {  	v3 =	vperm.xlane v3, v2  }
0x270: {  	[tilespmem:s26], [sflag:$0x2] =	stream.indirect_vreg.gather [hbm4b:s1+s3], $0x80, v4, vm0, $0xb8;
	[tilespmem:$0x18480] =	vst v63  }
0x271: {  	s0 =	simm.s32 $0xCC80;
	v3 =	vadd.s32 v1, v3  }
0x272: {  	[tilespmem:s0], [sflag:$0x2] =	stream.indirect_vreg.gather [hbm4b:s5+s3], $0x80, v4, vm0, $0xb8;
	[tilespmem:$0x18480] =	vst v63  }
0x273: {  	s4 =	simm.s32 $0xD480  }
0x274: {  	[tilespmem:s4], [sflag:$0x2] =	stream.indirect_vreg.gather [hbm4b:s6+s3], $0x80, v4, vm0, $0xb8;
	[tilespmem:$0x18480] =	vst v63  }
0x275: {  	s8 =	simm.s32 $0xDC80  }
0x276: {  	[tilespmem:s8], [sflag:$0x2] =	stream.indirect_vreg.gather [hbm4b:s1+s3], $0x80, v3, vm0, $0xb8;
	[tilespmem:$0x18480] =	vst v63  }
0x277: {  	s9 =	simm.s32 $0xE480  }
0x278: {  	[tilespmem:s9], [sflag:$0x2] =	stream.indirect_vreg.gather [hbm4b:s5+s3], $0x80, v3, vm0, $0xb8;
	[tilespmem:$0x18480] =	vst v63  }
0x279: {  	s22 =	simm.s32 $0xEC80  }
0x27a: {  	[tilespmem:s22], [sflag:$0x2] =	stream.indirect_vreg.gather [hbm4b:s6+s3], $0x80, v3, vm0, $0xb8;
	[tilespmem:$0x18480] =	vst v63  }
0x27b: {  	v3 =	vld [tilespmem:$0x1D0];
	_ =	sdelay $0x4  }
0x27c: {  	v29 =	vshrl.u32 v3, $0x3  }
0x27d: {  	v4 =	vmul.u32 $0x30, v29  }
0x27e: {  	v3 =	vand.u32 $0x7, v3  }
0x27f: {  	v3 =	vor.u32 v3, v4  }
0x280: {  	v4 =	vperm.xlane v3, v0;
	_ =	sdelay $0x1  }
0x281: {  	v4 =	vadd.s32 v1, v4;
	_ =	sdelay $0x3  }
0x282: {  	s2 =	simm.s32 $0xF480;
	v3 =	vperm.xlane v3, v2  }
0x283: {  	[tilespmem:s2], [sflag:$0x2] =	stream.indirect_vreg.gather [hbm4b:s1+s3], $0x80, v4, vm0, $0xb8;
	[tilespmem:$0x18480] =	vst v63  }
0x284: {  	s10 =	simm.s32 $0xFC80;
	v3 =	vadd.s32 v1, v3  }
0x285: {  	[tilespmem:s10], [sflag:$0x2] =	stream.indirect_vreg.gather [hbm4b:s5+s3], $0x80, v4, vm0, $0xb8;
	[tilespmem:$0x18480] =	vst v63  }
0x286: {  	s11 =	simm.s32 $0x10480  }
0x287: {  	[tilespmem:s11], [sflag:$0x2] =	stream.indirect_vreg.gather [hbm4b:s6+s3], $0x80, v4, vm0, $0xb8;
	[tilespmem:$0x18480] =	vst v63  }
0x288: {  	s12 =	simm.s32 $0x10C80  }
0x289: {  	[tilespmem:s12], [sflag:$0x2] =	stream.indirect_vreg.gather [hbm4b:s1+s3], $0x80, v3, vm0, $0xb8;
	[tilespmem:$0x18480] =	vst v63  }
0x28a: {  	s13 =	simm.s32 $0x11480  }
0x28b: {  	[tilespmem:s13], [sflag:$0x2] =	stream.indirect_vreg.gather [hbm4b:s5+s3], $0x80, v3, vm0, $0xb8;
	[tilespmem:$0x18480] =	vst v63  }
0x28c: {  	s23 =	simm.s32 $0x11C80  }
0x28d: {  	[tilespmem:s23], [sflag:$0x2] =	stream.indirect_vreg.gather [hbm4b:s6+s3], $0x80, v3, vm0, $0xb8;
	[tilespmem:$0x18480] =	vst v63  }
0x28e: {  	v3 =	vld [tilespmem:$0x1E0];
	_ =	sdelay $0x4  }
0x28f: {  	v30 =	vshrl.u32 v3, $0x3  }
0x290: {  	v4 =	vmul.u32 $0x30, v30  }
0x291: {  	v3 =	vand.u32 $0x7, v3  }
0x292: {  	v3 =	vor.u32 v3, v4  }
0x293: {  	v4 =	vperm.xlane v3, v0;
	_ =	sdelay $0x1  }
0x294: {  	v4 =	vadd.s32 v1, v4;
	_ =	sdelay $0x3  }
0x295: {  	s24 =	simm.s32 $0x12480;
	v3 =	vperm.xlane v3, v2  }
0x296: {  	[tilespmem:s24], [sflag:$0x2] =	stream.indirect_vreg.gather [hbm4b:s1+s3], $0x80, v4, vm0, $0xb8;
	[tilespmem:$0x18480] =	vst v63  }
0x297: {  	s14 =	simm.s32 $0x12C80;
	v3 =	vadd.s32 v1, v3  }
0x298: {  	[tilespmem:s14], [sflag:$0x2] =	stream.indirect_vreg.gather [hbm4b:s5+s3], $0x80, v4, vm0, $0xb8;
	[tilespmem:$0x18480] =	vst v63  }
0x299: {  	s15 =	simm.s32 $0x13480  }
0x29a: {  	[tilespmem:s15], [sflag:$0x2] =	stream.indirect_vreg.gather [hbm4b:s6+s3], $0x80, v4, vm0, $0xb8;
	[tilespmem:$0x18480] =	vst v63  }
0x29b: {  	s16 =	simm.s32 $0x13C80  }
0x29c: {  	[tilespmem:s16], [sflag:$0x2] =	stream.indirect_vreg.gather [hbm4b:s1+s3], $0x80, v3, vm0, $0xb8;
	[tilespmem:$0x18480] =	vst v63  }
0x29d: {  	s17 =	simm.s32 $0x14480  }
0x29e: {  	[tilespmem:s17], [sflag:$0x2] =	stream.indirect_vreg.gather [hbm4b:s5+s3], $0x80, v3, vm0, $0xb8;
	[tilespmem:$0x18480] =	vst v63  }
0x29f: {  	s25 =	simm.s32 $0x14C80  }
0x2a0: {  	[tilespmem:s25], [sflag:$0x2] =	stream.indirect_vreg.gather [hbm4b:s6+s3], $0x80, v3, vm0, $0xb8;
	[tilespmem:$0x18480] =	vst v63  }
0x2a1: {  	v3 =	vld [tilespmem:$0x1F0];
	_ =	sdelay $0x4  }
0x2a2: {  	v31 =	vshrl.u32 v3, $0x3  }
0x2a3: {  	v4 =	vmul.u32 $0x30, v31  }
0x2a4: {  	v3 =	vand.u32 $0x7, v3  }
0x2a5: {  	v3 =	vor.u32 v3, v4  }
0x2a6: {  	v4 =	vperm.xlane v3, v0;
	_ =	sdelay $0x1  }
0x2a7: {  	v4 =	vadd.s32 v1, v4;
	_ =	sdelay $0x3  }
0x2a8: {  	s17 =	simm.s32 $0x15480;
	v3 =	vperm.xlane v3, v2  }
0x2a9: {  	[tilespmem:s17], [sflag:$0x2] =	stream.indirect_vreg.gather [hbm4b:s1+s3], $0x80, v4, vm0, $0xb8;
	[tilespmem:$0x18480] =	vst v63  }
0x2aa: {  	s18 =	simm.s32 $0x15C80;
	v3 =	vadd.s32 v1, v3  }
0x2ab: {  	[tilespmem:s18], [sflag:$0x2] =	stream.indirect_vreg.gather [hbm4b:s5+s3], $0x80, v4, vm0, $0xb8;
	[tilespmem:$0x18480] =	vst v63  }
0x2ac: {  	s19 =	simm.s32 $0x16480  }
0x2ad: {  	[tilespmem:s19], [sflag:$0x2] =	stream.indirect_vreg.gather [hbm4b:s6+s3], $0x80, v4, vm0, $0xb8;
	[tilespmem:$0x18480] =	vst v63  }
0x2ae: {  	s20 =	simm.s32 $0x16C80  }
0x2af: {  	[tilespmem:s20], [sflag:$0x2] =	stream.indirect_vreg.gather [hbm4b:s1+s3], $0x80, v3, vm0, $0xb8;
	[tilespmem:$0x18480] =	vst v63  }
0x2b0: {  	s21 =	simm.s32 $0x17480  }
0x2b1: {  	[tilespmem:s21], [sflag:$0x2] =	stream.indirect_vreg.gather [hbm4b:s5+s3], $0x80, v3, vm0, $0xb8;
	[tilespmem:$0x18480] =	vst v63  }
0x2b2: {  	s21 =	simm.s32 $0x17C80  }
0x2b3: {  	[tilespmem:s21], [sflag:$0x2] =	stream.indirect_vreg.gather [hbm4b:s6+s3], $0x80, v3, vm0, $0xb8;
	[tilespmem:$0x18480] =	vst v63  }
0x2b4: {  	_ =	swait.ge [sflag:s29], $0xC000  }
0x2b5: {  	[sflag:s29] =	ssyncset.done $0x0  }
0x2b6: {  	s0 =	rddreg [dreg:$0xc];
	[sflag:s29] =	ssyncadd.s32 $0xFFFF4000  }
0x2b7: {  	[hbm4b:s0+s3] =	stream.linear.scatter [tilespmem:s26], [sflag:$0x4], $0xC000, $0x38;
	[tilespmem:$0x18480] =	vst v63  }
0x2b8: {  	_ =	swait.ge [sflag:s30], $0xC000  }
0x2b9: {  	[sflag:s30] =	ssyncset.done $0x0  }
0x2ba: {  	[sflag:s30] =	ssyncadd.s32 $0xFFFF4000  }
0x2bb: {  	v3 =	vld [tilespmem:$0x200];
	_ =	sdelay $0x4  }
0x2bc: {  	v32 =	vshrl.u32 v3, $0x3  }
0x2bd: {  	v4 =	vmul.u32 $0x30, v32  }
0x2be: {  	v3 =	vand.u32 $0x7, v3  }
0x2bf: {  	v3 =	vor.u32 v3, v4  }
0x2c0: {  	v4 =	vperm.xlane v3, v0;
	_ =	sdelay $0x1  }
0x2c1: {  	v4 =	vadd.s32 v1, v4;
	_ =	sdelay $0x3  }
0x2c2: {  	v3 =	vperm.xlane v3, v2  }
0x2c3: {  	[tilespmem:s28], [sflag:$0x1] =	stream.indirect_vreg.gather [hbm4b:s1+s3], $0x80, v4, vm0, $0xb8;
	[tilespmem:$0x18480] =	vst v63  }
0x2c4: {  	s0 =	simm.s32 $0xC80;
	v3 =	vadd.s32 v1, v3  }
0x2c5: {  	[tilespmem:s0], [sflag:$0x1] =	stream.indirect_vreg.gather [hbm4b:s5+s3], $0x80, v4, vm0, $0xb8;
	[tilespmem:$0x18480] =	vst v63  }
0x2c6: {  	s0 =	simm.s32 $0x1480  }
0x2c7: {  	[tilespmem:s0], [sflag:$0x1] =	stream.indirect_vreg.gather [hbm4b:s6+s3], $0x80, v4, vm0, $0xb8;
	[tilespmem:$0x18480] =	vst v63  }
0x2c8: {  	s0 =	simm.s32 $0x1C80  }
0x2c9: {  	[tilespmem:s0], [sflag:$0x1] =	stream.indirect_vreg.gather [hbm4b:s1+s3], $0x80, v3, vm0, $0xb8;
	[tilespmem:$0x18480] =	vst v63  }
0x2ca: {  	s0 =	simm.s32 $0x2480  }
0x2cb: {  	[tilespmem:s0], [sflag:$0x1] =	stream.indirect_vreg.gather [hbm4b:s5+s3], $0x80, v3, vm0, $0xb8;
	[tilespmem:$0x18480] =	vst v63  }
0x2cc: {  	s0 =	simm.s32 $0x2C80  }
0x2cd: {  	[tilespmem:s0], [sflag:$0x1] =	stream.indirect_vreg.gather [hbm4b:s6+s3], $0x80, v3, vm0, $0xb8;
	[tilespmem:$0x18480] =	vst v63  }
0x2ce: {  	v3 =	vld [tilespmem:$0x210];
	_ =	sdelay $0x4  }
0x2cf: {  	v33 =	vshrl.u32 v3, $0x3  }
0x2d0: {  	v4 =	vmul.u32 $0x30, v33  }
0x2d1: {  	v3 =	vand.u32 $0x7, v3  }
0x2d2: {  	v3 =	vor.u32 v3, v4  }
0x2d3: {  	v4 =	vperm.xlane v3, v0;
	_ =	sdelay $0x1  }
0x2d4: {  	v4 =	vadd.s32 v1, v4;
	_ =	sdelay $0x3  }
0x2d5: {  	s0 =	simm.s32 $0x3480;
	v3 =	vperm.xlane v3, v2  }
0x2d6: {  	[tilespmem:s0], [sflag:$0x1] =	stream.indirect_vreg.gather [hbm4b:s1+s3], $0x80, v4, vm0, $0xb8;
	[tilespmem:$0x18480] =	vst v63  }
0x2d7: {  	v3 =	vadd.s32 v1, v3;
	s0 =	simm.s32 $0x3C80  }
0x2d8: {  	[tilespmem:s0], [sflag:$0x1] =	stream.indirect_vreg.gather [hbm4b:s5+s3], $0x80, v4, vm0, $0xb8;
	[tilespmem:$0x18480] =	vst v63  }
0x2d9: {  	s0 =	simm.s32 $0x4480  }
0x2da: {  	[tilespmem:s0], [sflag:$0x1] =	stream.indirect_vreg.gather [hbm4b:s6+s3], $0x80, v4, vm0, $0xb8;
	[tilespmem:$0x18480] =	vst v63  }
0x2db: {  	s0 =	simm.s32 $0x4C80  }
0x2dc: {  	[tilespmem:s0], [sflag:$0x1] =	stream.indirect_vreg.gather [hbm4b:s1+s3], $0x80, v3, vm0, $0xb8;
	[tilespmem:$0x18480] =	vst v63  }
0x2dd: {  	s0 =	simm.s32 $0x5480  }
0x2de: {  	[tilespmem:s0], [sflag:$0x1] =	stream.indirect_vreg.gather [hbm4b:s5+s3], $0x80, v3, vm0, $0xb8;
	[tilespmem:$0x18480] =	vst v63  }
0x2df: {  	s0 =	simm.s32 $0x5C80  }
0x2e0: {  	[tilespmem:s0], [sflag:$0x1] =	stream.indirect_vreg.gather [hbm4b:s6+s3], $0x80, v3, vm0, $0xb8;
	[tilespmem:$0x18480] =	vst v63  }
0x2e1: {  	v3 =	vld [tilespmem:$0x220];
	_ =	sdelay $0x4  }
0x2e2: {  	v34 =	vshrl.u32 v3, $0x3  }
0x2e3: {  	v4 =	vmul.u32 $0x30, v34  }
0x2e4: {  	v3 =	vand.u32 $0x7, v3  }
0x2e5: {  	v3 =	vor.u32 v3, v4  }
0x2e6: {  	v4 =	vperm.xlane v3, v0;
	_ =	sdelay $0x1  }
0x2e7: {  	v4 =	vadd.s32 v1, v4;
	_ =	sdelay $0x3  }
0x2e8: {  	s0 =	simm.s32 $0x6480;
	v3 =	vperm.xlane v3, v2  }
0x2e9: {  	[tilespmem:s0], [sflag:$0x1] =	stream.indirect_vreg.gather [hbm4b:s1+s3], $0x80, v4, vm0, $0xb8;
	[tilespmem:$0x18480] =	vst v63  }
0x2ea: {  	v3 =	vadd.s32 v1, v3;
	s0 =	simm.s32 $0x6C80  }
0x2eb: {  	[tilespmem:s0], [sflag:$0x1] =	stream.indirect_vreg.gather [hbm4b:s5+s3], $0x80, v4, vm0, $0xb8;
	[tilespmem:$0x18480] =	vst v63  }
0x2ec: {  	s0 =	simm.s32 $0x7480  }
0x2ed: {  	[tilespmem:s0], [sflag:$0x1] =	stream.indirect_vreg.gather [hbm4b:s6+s3], $0x80, v4, vm0, $0xb8;
	[tilespmem:$0x18480] =	vst v63  }
0x2ee: {  	s0 =	simm.s32 $0x7C80  }
0x2ef: {  	[tilespmem:s0], [sflag:$0x1] =	stream.indirect_vreg.gather [hbm4b:s1+s3], $0x80, v3, vm0, $0xb8;
	[tilespmem:$0x18480] =	vst v63  }
0x2f0: {  	s0 =	simm.s32 $0x8480  }
0x2f1: {  	[tilespmem:s0], [sflag:$0x1] =	stream.indirect_vreg.gather [hbm4b:s5+s3], $0x80, v3, vm0, $0xb8;
	[tilespmem:$0x18480] =	vst v63  }
0x2f2: {  	s0 =	simm.s32 $0x8C80  }
0x2f3: {  	[tilespmem:s0], [sflag:$0x1] =	stream.indirect_vreg.gather [hbm4b:s6+s3], $0x80, v3, vm0, $0xb8;
	[tilespmem:$0x18480] =	vst v63  }
0x2f4: {  	v3 =	vld [tilespmem:$0x230];
	_ =	sdelay $0x4  }
0x2f5: {  	v35 =	vshrl.u32 v3, $0x3  }
0x2f6: {  	v4 =	vmul.u32 $0x30, v35  }
0x2f7: {  	v3 =	vand.u32 $0x7, v3  }
0x2f8: {  	v3 =	vor.u32 v3, v4  }
0x2f9: {  	v4 =	vperm.xlane v3, v0;
	_ =	sdelay $0x1  }
0x2fa: {  	v4 =	vadd.s32 v1, v4;
	_ =	sdelay $0x3  }
0x2fb: {  	s0 =	simm.s32 $0x9480;
	v3 =	vperm.xlane v3, v2  }
0x2fc: {  	[tilespmem:s0], [sflag:$0x1] =	stream.indirect_vreg.gather [hbm4b:s1+s3], $0x80, v4, vm0, $0xb8;
	[tilespmem:$0x18480] =	vst v63  }
0x2fd: {  	v3 =	vadd.s32 v1, v3;
	s0 =	simm.s32 $0x9C80  }
0x2fe: {  	[tilespmem:s0], [sflag:$0x1] =	stream.indirect_vreg.gather [hbm4b:s5+s3], $0x80, v4, vm0, $0xb8;
	[tilespmem:$0x18480] =	vst v63  }
0x2ff: {  	s0 =	simm.s32 $0xA480  }
0x300: {  	[tilespmem:s0], [sflag:$0x1] =	stream.indirect_vreg.gather [hbm4b:s6+s3], $0x80, v4, vm0, $0xb8;
	[tilespmem:$0x18480] =	vst v63  }
0x301: {  	s0 =	simm.s32 $0xAC80  }
0x302: {  	[tilespmem:s0], [sflag:$0x1] =	stream.indirect_vreg.gather [hbm4b:s1+s3], $0x80, v3, vm0, $0xb8;
	[tilespmem:$0x18480] =	vst v63  }
0x303: {  	s0 =	simm.s32 $0xB480  }
0x304: {  	[tilespmem:s0], [sflag:$0x1] =	stream.indirect_vreg.gather [hbm4b:s5+s3], $0x80, v3, vm0, $0xb8;
	[tilespmem:$0x18480] =	vst v63  }
0x305: {  	s0 =	simm.s32 $0xBC80  }
0x306: {  	[tilespmem:s0], [sflag:$0x1] =	stream.indirect_vreg.gather [hbm4b:s6+s3], $0x80, v3, vm0, $0xb8;
	[tilespmem:$0x18480] =	vst v63  }
0x307: {  	_ =	swait.ge [sflag:s7], $0xC000  }
0x308: {  	[sflag:s7] =	ssyncset.done $0x0  }
0x309: {  	s0 =	rddreg [dreg:$0xd];
	[sflag:s7] =	ssyncadd.s32 $0xFFFF4000  }
0x30a: {  	[hbm4b:s0+s3] =	stream.linear.scatter [tilespmem:s28], [sflag:$0x3], $0xC000, $0x38;
	[tilespmem:$0x18480] =	vst v63  }
0x30b: {  	_ =	swait.ge [sflag:s31], $0xC000  }
0x30c: {  	[sflag:s31] =	ssyncset.done $0x0  }
0x30d: {  	[sflag:s31] =	ssyncadd.s32 $0xFFFF4000  }
0x30e: {  	v3 =	vld [tilespmem:$0x240];
	_ =	sdelay $0x4  }
0x30f: {  	v36 =	vshrl.u32 v3, $0x3  }
0x310: {  	v4 =	vmul.u32 $0x30, v36  }
0x311: {  	v3 =	vand.u32 $0x7, v3  }
0x312: {  	v3 =	vor.u32 v3, v4  }
0x313: {  	v4 =	vperm.xlane v3, v0;
	_ =	sdelay $0x1  }
0x314: {  	v4 =	vadd.s32 v1, v4;
	_ =	sdelay $0x3  }
0x315: {  	v3 =	vperm.xlane v3, v2  }
0x316: {  	[tilespmem:s26], [sflag:$0x2] =	stream.indirect_vreg.gather [hbm4b:s1+s3], $0x80, v4, vm0, $0xb8;
	[tilespmem:$0x18480] =	vst v63  }
0x317: {  	s0 =	simm.s32 $0xCC80;
	v3 =	vadd.s32 v1, v3  }
0x318: {  	[tilespmem:s0], [sflag:$0x2] =	stream.indirect_vreg.gather [hbm4b:s5+s3], $0x80, v4, vm0, $0xb8;
	[tilespmem:$0x18480] =	vst v63  }
0x319: {  	s0 =	simm.s32 $0xD480  }
0x31a: {  	[tilespmem:s0], [sflag:$0x2] =	stream.indirect_vreg.gather [hbm4b:s6+s3], $0x80, v4, vm0, $0xb8;
	[tilespmem:$0x18480] =	vst v63  }
0x31b: {  	s8 =	simm.s32 $0xDC80  }
0x31c: {  	[tilespmem:s8], [sflag:$0x2] =	stream.indirect_vreg.gather [hbm4b:s1+s3], $0x80, v3, vm0, $0xb8;
	[tilespmem:$0x18480] =	vst v63  }
0x31d: {  	s9 =	simm.s32 $0xE480  }
0x31e: {  	[tilespmem:s9], [sflag:$0x2] =	stream.indirect_vreg.gather [hbm4b:s5+s3], $0x80, v3, vm0, $0xb8;
	[tilespmem:$0x18480] =	vst v63  }
0x31f: {  	s22 =	simm.s32 $0xEC80  }
0x320: {  	[tilespmem:s22], [sflag:$0x2] =	stream.indirect_vreg.gather [hbm4b:s6+s3], $0x80, v3, vm0, $0xb8;
	[tilespmem:$0x18480] =	vst v63  }
0x321: {  	v3 =	vld [tilespmem:$0x250];
	_ =	sdelay $0x4  }
0x322: {  	v37 =	vshrl.u32 v3, $0x3  }
0x323: {  	v4 =	vmul.u32 $0x30, v37  }
0x324: {  	v3 =	vand.u32 $0x7, v3  }
0x325: {  	v3 =	vor.u32 v3, v4  }
0x326: {  	v4 =	vperm.xlane v3, v0;
	_ =	sdelay $0x1  }
0x327: {  	v4 =	vadd.s32 v1, v4;
	_ =	sdelay $0x3  }
0x328: {  	s4 =	simm.s32 $0xF480;
	v3 =	vperm.xlane v3, v2  }
0x329: {  	[tilespmem:s4], [sflag:$0x2] =	stream.indirect_vreg.gather [hbm4b:s1+s3], $0x80, v4, vm0, $0xb8;
	[tilespmem:$0x18480] =	vst v63  }
0x32a: {  	s2 =	simm.s32 $0xFC80;
	v3 =	vadd.s32 v1, v3  }
0x32b: {  	[tilespmem:s2], [sflag:$0x2] =	stream.indirect_vreg.gather [hbm4b:s5+s3], $0x80, v4, vm0, $0xb8;
	[tilespmem:$0x18480] =	vst v63  }
0x32c: {  	s10 =	simm.s32 $0x10480  }
0x32d: {  	[tilespmem:s10], [sflag:$0x2] =	stream.indirect_vreg.gather [hbm4b:s6+s3], $0x80, v4, vm0, $0xb8;
	[tilespmem:$0x18480] =	vst v63  }
0x32e: {  	s11 =	simm.s32 $0x10C80  }
0x32f: {  	[tilespmem:s11], [sflag:$0x2] =	stream.indirect_vreg.gather [hbm4b:s1+s3], $0x80, v3, vm0, $0xb8;
	[tilespmem:$0x18480] =	vst v63  }
0x330: {  	s12 =	simm.s32 $0x11480  }
0x331: {  	[tilespmem:s12], [sflag:$0x2] =	stream.indirect_vreg.gather [hbm4b:s5+s3], $0x80, v3, vm0, $0xb8;
	[tilespmem:$0x18480] =	vst v63  }
0x332: {  	s23 =	simm.s32 $0x11C80  }
0x333: {  	[tilespmem:s23], [sflag:$0x2] =	stream.indirect_vreg.gather [hbm4b:s6+s3], $0x80, v3, vm0, $0xb8;
	[tilespmem:$0x18480] =	vst v63  }
0x334: {  	v3 =	vld [tilespmem:$0x260];
	_ =	sdelay $0x4  }
0x335: {  	v38 =	vshrl.u32 v3, $0x3  }
0x336: {  	v4 =	vmul.u32 $0x30, v38  }
0x337: {  	v3 =	vand.u32 $0x7, v3  }
0x338: {  	v3 =	vor.u32 v3, v4  }
0x339: {  	v4 =	vperm.xlane v3, v0;
	_ =	sdelay $0x1  }
0x33a: {  	v4 =	vadd.s32 v1, v4;
	_ =	sdelay $0x3  }
0x33b: {  	s24 =	simm.s32 $0x12480;
	v3 =	vperm.xlane v3, v2  }
0x33c: {  	[tilespmem:s24], [sflag:$0x2] =	stream.indirect_vreg.gather [hbm4b:s1+s3], $0x80, v4, vm0, $0xb8;
	[tilespmem:$0x18480] =	vst v63  }
0x33d: {  	s13 =	simm.s32 $0x12C80;
	v3 =	vadd.s32 v1, v3  }
0x33e: {  	[tilespmem:s13], [sflag:$0x2] =	stream.indirect_vreg.gather [hbm4b:s5+s3], $0x80, v4, vm0, $0xb8;
	[tilespmem:$0x18480] =	vst v63  }
0x33f: {  	s14 =	simm.s32 $0x13480  }
0x340: {  	[tilespmem:s14], [sflag:$0x2] =	stream.indirect_vreg.gather [hbm4b:s6+s3], $0x80, v4, vm0, $0xb8;
	[tilespmem:$0x18480] =	vst v63  }
0x341: {  	s15 =	simm.s32 $0x13C80  }
0x342: {  	[tilespmem:s15], [sflag:$0x2] =	stream.indirect_vreg.gather [hbm4b:s1+s3], $0x80, v3, vm0, $0xb8;
	[tilespmem:$0x18480] =	vst v63  }
0x343: {  	s16 =	simm.s32 $0x14480  }
0x344: {  	[tilespmem:s16], [sflag:$0x2] =	stream.indirect_vreg.gather [hbm4b:s5+s3], $0x80, v3, vm0, $0xb8;
	[tilespmem:$0x18480] =	vst v63  }
0x345: {  	s25 =	simm.s32 $0x14C80  }
0x346: {  	[tilespmem:s25], [sflag:$0x2] =	stream.indirect_vreg.gather [hbm4b:s6+s3], $0x80, v3, vm0, $0xb8;
	[tilespmem:$0x18480] =	vst v63  }
0x347: {  	v3 =	vld [tilespmem:$0x270];
	_ =	sdelay $0x4  }
0x348: {  	v39 =	vshrl.u32 v3, $0x3  }
0x349: {  	v4 =	vmul.u32 $0x30, v39  }
0x34a: {  	v3 =	vand.u32 $0x7, v3  }
0x34b: {  	v3 =	vor.u32 v3, v4  }
0x34c: {  	v4 =	vperm.xlane v3, v0;
	_ =	sdelay $0x1  }
0x34d: {  	v4 =	vadd.s32 v1, v4;
	_ =	sdelay $0x3  }
0x34e: {  	s0 =	simm.s32 $0x15480;
	v3 =	vperm.xlane v3, v2  }
0x34f: {  	[tilespmem:s0], [sflag:$0x2] =	stream.indirect_vreg.gather [hbm4b:s1+s3], $0x80, v4, vm0, $0xb8;
	[tilespmem:$0x18480] =	vst v63  }
0x350: {  	s17 =	simm.s32 $0x15C80;
	v3 =	vadd.s32 v1, v3  }
0x351: {  	[tilespmem:s17], [sflag:$0x2] =	stream.indirect_vreg.gather [hbm4b:s5+s3], $0x80, v4, vm0, $0xb8;
	[tilespmem:$0x18480] =	vst v63  }
0x352: {  	s18 =	simm.s32 $0x16480  }
0x353: {  	[tilespmem:s18], [sflag:$0x2] =	stream.indirect_vreg.gather [hbm4b:s6+s3], $0x80, v4, vm0, $0xb8;
	[tilespmem:$0x18480] =	vst v63  }
0x354: {  	s19 =	simm.s32 $0x16C80  }
0x355: {  	[tilespmem:s19], [sflag:$0x2] =	stream.indirect_vreg.gather [hbm4b:s1+s3], $0x80, v3, vm0, $0xb8;
	[tilespmem:$0x18480] =	vst v63  }
0x356: {  	s20 =	simm.s32 $0x17480  }
0x357: {  	[tilespmem:s20], [sflag:$0x2] =	stream.indirect_vreg.gather [hbm4b:s5+s3], $0x80, v3, vm0, $0xb8;
	[tilespmem:$0x18480] =	vst v63  }
0x358: {  	s21 =	simm.s32 $0x17C80  }
0x359: {  	[tilespmem:s21], [sflag:$0x2] =	stream.indirect_vreg.gather [hbm4b:s6+s3], $0x80, v3, vm0, $0xb8;
	[tilespmem:$0x18480] =	vst v63  }
0x35a: {  	_ =	swait.ge [sflag:s29], $0xC000  }
0x35b: {  	[sflag:s29] =	ssyncset.done $0x0  }
0x35c: {  	s0 =	rddreg [dreg:$0xe];
	[sflag:s29] =	ssyncadd.s32 $0xFFFF4000  }
0x35d: {  	[hbm4b:s0+s3] =	stream.linear.scatter [tilespmem:s26], [sflag:$0x4], $0xC000, $0x38;
	[tilespmem:$0x18480] =	vst v63  }
0x35e: {  	_ =	swait.ge [sflag:s30], $0xC000  }
0x35f: {  	[sflag:s30] =	ssyncset.done $0x0  }
0x360: {  	[sflag:s30] =	ssyncadd.s32 $0xFFFF4000  }
0x361: {  	v3 =	vld [tilespmem:$0x280];
	_ =	sdelay $0x4  }
0x362: {  	v40 =	vshrl.u32 v3, $0x3  }
0x363: {  	v4 =	vmul.u32 $0x30, v40  }
0x364: {  	v3 =	vand.u32 $0x7, v3  }
0x365: {  	v3 =	vor.u32 v3, v4  }
0x366: {  	v4 =	vperm.xlane v3, v0;
	_ =	sdelay $0x1  }
0x367: {  	v4 =	vadd.s32 v1, v4;
	_ =	sdelay $0x3  }
0x368: {  	v3 =	vperm.xlane v3, v2  }
0x369: {  	[tilespmem:s28], [sflag:$0x1] =	stream.indirect_vreg.gather [hbm4b:s1+s3], $0x80, v4, vm0, $0xb8;
	[tilespmem:$0x18480] =	vst v63  }
0x36a: {  	s0 =	simm.s32 $0xC80;
	v3 =	vadd.s32 v1, v3  }
0x36b: {  	[tilespmem:s0], [sflag:$0x1] =	stream.indirect_vreg.gather [hbm4b:s5+s3], $0x80, v4, vm0, $0xb8;
	[tilespmem:$0x18480] =	vst v63  }
0x36c: {  	s0 =	simm.s32 $0x1480  }
0x36d: {  	[tilespmem:s0], [sflag:$0x1] =	stream.indirect_vreg.gather [hbm4b:s6+s3], $0x80, v4, vm0, $0xb8;
	[tilespmem:$0x18480] =	vst v63  }
0x36e: {  	s0 =	simm.s32 $0x1C80  }
0x36f: {  	[tilespmem:s0], [sflag:$0x1] =	stream.indirect_vreg.gather [hbm4b:s1+s3], $0x80, v3, vm0, $0xb8;
	[tilespmem:$0x18480] =	vst v63  }
0x370: {  	s0 =	simm.s32 $0x2480  }
0x371: {  	[tilespmem:s0], [sflag:$0x1] =	stream.indirect_vreg.gather [hbm4b:s5+s3], $0x80, v3, vm0, $0xb8;
	[tilespmem:$0x18480] =	vst v63  }
0x372: {  	s0 =	simm.s32 $0x2C80  }
0x373: {  	[tilespmem:s0], [sflag:$0x1] =	stream.indirect_vreg.gather [hbm4b:s6+s3], $0x80, v3, vm0, $0xb8;
	[tilespmem:$0x18480] =	vst v63  }
0x374: {  	v3 =	vld [tilespmem:$0x290];
	_ =	sdelay $0x4  }
0x375: {  	v41 =	vshrl.u32 v3, $0x3  }
0x376: {  	v4 =	vmul.u32 $0x30, v41  }
0x377: {  	v3 =	vand.u32 $0x7, v3  }
0x378: {  	v3 =	vor.u32 v3, v4  }
0x379: {  	v4 =	vperm.xlane v3, v0;
	_ =	sdelay $0x1  }
0x37a: {  	v4 =	vadd.s32 v1, v4;
	_ =	sdelay $0x3  }
0x37b: {  	s0 =	simm.s32 $0x3480;
	v3 =	vperm.xlane v3, v2  }
0x37c: {  	[tilespmem:s0], [sflag:$0x1] =	stream.indirect_vreg.gather [hbm4b:s1+s3], $0x80, v4, vm0, $0xb8;
	[tilespmem:$0x18480] =	vst v63  }
0x37d: {  	v3 =	vadd.s32 v1, v3;
	s0 =	simm.s32 $0x3C80  }
0x37e: {  	[tilespmem:s0], [sflag:$0x1] =	stream.indirect_vreg.gather [hbm4b:s5+s3], $0x80, v4, vm0, $0xb8;
	[tilespmem:$0x18480] =	vst v63  }
0x37f: {  	s0 =	simm.s32 $0x4480  }
0x380: {  	[tilespmem:s0], [sflag:$0x1] =	stream.indirect_vreg.gather [hbm4b:s6+s3], $0x80, v4, vm0, $0xb8;
	[tilespmem:$0x18480] =	vst v63  }
0x381: {  	s0 =	simm.s32 $0x4C80  }
0x382: {  	[tilespmem:s0], [sflag:$0x1] =	stream.indirect_vreg.gather [hbm4b:s1+s3], $0x80, v3, vm0, $0xb8;
	[tilespmem:$0x18480] =	vst v63  }
0x383: {  	s0 =	simm.s32 $0x5480  }
0x384: {  	[tilespmem:s0], [sflag:$0x1] =	stream.indirect_vreg.gather [hbm4b:s5+s3], $0x80, v3, vm0, $0xb8;
	[tilespmem:$0x18480] =	vst v63  }
0x385: {  	s0 =	simm.s32 $0x5C80  }
0x386: {  	[tilespmem:s0], [sflag:$0x1] =	stream.indirect_vreg.gather [hbm4b:s6+s3], $0x80, v3, vm0, $0xb8;
	[tilespmem:$0x18480] =	vst v63  }
0x387: {  	v3 =	vld [tilespmem:$0x2A0];
	_ =	sdelay $0x4  }
0x388: {  	v42 =	vshrl.u32 v3, $0x3  }
0x389: {  	v4 =	vmul.u32 $0x30, v42  }
0x38a: {  	v3 =	vand.u32 $0x7, v3  }
0x38b: {  	v3 =	vor.u32 v3, v4  }
0x38c: {  	v4 =	vperm.xlane v3, v0;
	_ =	sdelay $0x1  }
0x38d: {  	v4 =	vadd.s32 v1, v4;
	_ =	sdelay $0x3  }
0x38e: {  	s0 =	simm.s32 $0x6480;
	v3 =	vperm.xlane v3, v2  }
0x38f: {  	[tilespmem:s0], [sflag:$0x1] =	stream.indirect_vreg.gather [hbm4b:s1+s3], $0x80, v4, vm0, $0xb8;
	[tilespmem:$0x18480] =	vst v63  }
0x390: {  	v3 =	vadd.s32 v1, v3;
	s0 =	simm.s32 $0x6C80  }
0x391: {  	[tilespmem:s0], [sflag:$0x1] =	stream.indirect_vreg.gather [hbm4b:s5+s3], $0x80, v4, vm0, $0xb8;
	[tilespmem:$0x18480] =	vst v63  }
0x392: {  	s0 =	simm.s32 $0x7480  }
0x393: {  	[tilespmem:s0], [sflag:$0x1] =	stream.indirect_vreg.gather [hbm4b:s6+s3], $0x80, v4, vm0, $0xb8;
	[tilespmem:$0x18480] =	vst v63  }
0x394: {  	s0 =	simm.s32 $0x7C80  }
0x395: {  	[tilespmem:s0], [sflag:$0x1] =	stream.indirect_vreg.gather [hbm4b:s1+s3], $0x80, v3, vm0, $0xb8;
	[tilespmem:$0x18480] =	vst v63  }
0x396: {  	s0 =	simm.s32 $0x8480  }
0x397: {  	[tilespmem:s0], [sflag:$0x1] =	stream.indirect_vreg.gather [hbm4b:s5+s3], $0x80, v3, vm0, $0xb8;
	[tilespmem:$0x18480] =	vst v63  }
0x398: {  	s0 =	simm.s32 $0x8C80  }
0x399: {  	[tilespmem:s0], [sflag:$0x1] =	stream.indirect_vreg.gather [hbm4b:s6+s3], $0x80, v3, vm0, $0xb8;
	[tilespmem:$0x18480] =	vst v63  }
0x39a: {  	v3 =	vld [tilespmem:$0x2B0];
	_ =	sdelay $0x4  }
0x39b: {  	v43 =	vshrl.u32 v3, $0x3  }
0x39c: {  	v4 =	vmul.u32 $0x30, v43  }
0x39d: {  	v3 =	vand.u32 $0x7, v3  }
0x39e: {  	v3 =	vor.u32 v3, v4  }
0x39f: {  	v4 =	vperm.xlane v3, v0;
	_ =	sdelay $0x1  }
0x3a0: {  	v4 =	vadd.s32 v1, v4;
	_ =	sdelay $0x3  }
0x3a1: {  	s0 =	simm.s32 $0x9480;
	v3 =	vperm.xlane v3, v2  }
0x3a2: {  	[tilespmem:s0], [sflag:$0x1] =	stream.indirect_vreg.gather [hbm4b:s1+s3], $0x80, v4, vm0, $0xb8;
	[tilespmem:$0x18480] =	vst v63  }
0x3a3: {  	v3 =	vadd.s32 v1, v3;
	s0 =	simm.s32 $0x9C80  }
0x3a4: {  	[tilespmem:s0], [sflag:$0x1] =	stream.indirect_vreg.gather [hbm4b:s5+s3], $0x80, v4, vm0, $0xb8;
	[tilespmem:$0x18480] =	vst v63  }
0x3a5: {  	s0 =	simm.s32 $0xA480  }
0x3a6: {  	[tilespmem:s0], [sflag:$0x1] =	stream.indirect_vreg.gather [hbm4b:s6+s3], $0x80, v4, vm0, $0xb8;
	[tilespmem:$0x18480] =	vst v63  }
0x3a7: {  	s0 =	simm.s32 $0xAC80  }
0x3a8: {  	[tilespmem:s0], [sflag:$0x1] =	stream.indirect_vreg.gather [hbm4b:s1+s3], $0x80, v3, vm0, $0xb8;
	[tilespmem:$0x18480] =	vst v63  }
0x3a9: {  	s0 =	simm.s32 $0xB480  }
0x3aa: {  	[tilespmem:s0], [sflag:$0x1] =	stream.indirect_vreg.gather [hbm4b:s5+s3], $0x80, v3, vm0, $0xb8;
	[tilespmem:$0x18480] =	vst v63  }
0x3ab: {  	s0 =	simm.s32 $0xBC80  }
0x3ac: {  	[tilespmem:s0], [sflag:$0x1] =	stream.indirect_vreg.gather [hbm4b:s6+s3], $0x80, v3, vm0, $0xb8;
	[tilespmem:$0x18480] =	vst v63  }
0x3ad: {  	_ =	swait.ge [sflag:s7], $0xC000  }
0x3ae: {  	[sflag:s7] =	ssyncset.done $0x0  }
0x3af: {  	s0 =	rddreg [dreg:$0xf];
	[sflag:s7] =	ssyncadd.s32 $0xFFFF4000  }
0x3b0: {  	[hbm4b:s0+s3] =	stream.linear.scatter [tilespmem:s28], [sflag:$0x3], $0xC000, $0x38;
	[tilespmem:$0x18480] =	vst v63  }
0x3b1: {  	_ =	swait.ge [sflag:s31], $0xC000  }
0x3b2: {  	[sflag:s31] =	ssyncset.done $0x0  }
0x3b3: {  	[sflag:s31] =	ssyncadd.s32 $0xFFFF4000  }
0x3b4: {  	v3 =	vld [tilespmem:$0x2C0];
	_ =	sdelay $0x4  }
0x3b5: {  	v44 =	vshrl.u32 v3, $0x3  }
0x3b6: {  	v4 =	vmul.u32 $0x30, v44  }
0x3b7: {  	v3 =	vand.u32 $0x7, v3  }
0x3b8: {  	v3 =	vor.u32 v3, v4  }
0x3b9: {  	v4 =	vperm.xlane v3, v0;
	_ =	sdelay $0x1  }
0x3ba: {  	v4 =	vadd.s32 v1, v4;
	_ =	sdelay $0x3  }
0x3bb: {  	v3 =	vperm.xlane v3, v2  }
0x3bc: {  	[tilespmem:s26], [sflag:$0x2] =	stream.indirect_vreg.gather [hbm4b:s1+s3], $0x80, v4, vm0, $0xb8;
	[tilespmem:$0x18480] =	vst v63  }
0x3bd: {  	s0 =	simm.s32 $0xCC80;
	v3 =	vadd.s32 v1, v3  }
0x3be: {  	[tilespmem:s0], [sflag:$0x2] =	stream.indirect_vreg.gather [hbm4b:s5+s3], $0x80, v4, vm0, $0xb8;
	[tilespmem:$0x18480] =	vst v63  }
0x3bf: {  	s0 =	simm.s32 $0xD480  }
0x3c0: {  	[tilespmem:s0], [sflag:$0x2] =	stream.indirect_vreg.gather [hbm4b:s6+s3], $0x80, v4, vm0, $0xb8;
	[tilespmem:$0x18480] =	vst v63  }
0x3c1: {  	s8 =	simm.s32 $0xDC80  }
0x3c2: {  	[tilespmem:s8], [sflag:$0x2] =	stream.indirect_vreg.gather [hbm4b:s1+s3], $0x80, v3, vm0, $0xb8;
	[tilespmem:$0x18480] =	vst v63  }
0x3c3: {  	s9 =	simm.s32 $0xE480  }
0x3c4: {  	[tilespmem:s9], [sflag:$0x2] =	stream.indirect_vreg.gather [hbm4b:s5+s3], $0x80, v3, vm0, $0xb8;
	[tilespmem:$0x18480] =	vst v63  }
0x3c5: {  	s22 =	simm.s32 $0xEC80  }
0x3c6: {  	[tilespmem:s22], [sflag:$0x2] =	stream.indirect_vreg.gather [hbm4b:s6+s3], $0x80, v3, vm0, $0xb8;
	[tilespmem:$0x18480] =	vst v63  }
0x3c7: {  	v3 =	vld [tilespmem:$0x2D0];
	_ =	sdelay $0x4  }
0x3c8: {  	v45 =	vshrl.u32 v3, $0x3  }
0x3c9: {  	v4 =	vmul.u32 $0x30, v45  }
0x3ca: {  	v3 =	vand.u32 $0x7, v3  }
0x3cb: {  	v3 =	vor.u32 v3, v4  }
0x3cc: {  	v4 =	vperm.xlane v3, v0;
	_ =	sdelay $0x1  }
0x3cd: {  	v4 =	vadd.s32 v1, v4;
	_ =	sdelay $0x3  }
0x3ce: {  	s4 =	simm.s32 $0xF480;
	v3 =	vperm.xlane v3, v2  }
0x3cf: {  	[tilespmem:s4], [sflag:$0x2] =	stream.indirect_vreg.gather [hbm4b:s1+s3], $0x80, v4, vm0, $0xb8;
	[tilespmem:$0x18480] =	vst v63  }
0x3d0: {  	s2 =	simm.s32 $0xFC80;
	v3 =	vadd.s32 v1, v3  }
0x3d1: {  	[tilespmem:s2], [sflag:$0x2] =	stream.indirect_vreg.gather [hbm4b:s5+s3], $0x80, v4, vm0, $0xb8;
	[tilespmem:$0x18480] =	vst v63  }
0x3d2: {  	s10 =	simm.s32 $0x10480  }
0x3d3: {  	[tilespmem:s10], [sflag:$0x2] =	stream.indirect_vreg.gather [hbm4b:s6+s3], $0x80, v4, vm0, $0xb8;
	[tilespmem:$0x18480] =	vst v63  }
0x3d4: {  	s11 =	simm.s32 $0x10C80  }
0x3d5: {  	[tilespmem:s11], [sflag:$0x2] =	stream.indirect_vreg.gather [hbm4b:s1+s3], $0x80, v3, vm0, $0xb8;
	[tilespmem:$0x18480] =	vst v63  }
0x3d6: {  	s12 =	simm.s32 $0x11480  }
0x3d7: {  	[tilespmem:s12], [sflag:$0x2] =	stream.indirect_vreg.gather [hbm4b:s5+s3], $0x80, v3, vm0, $0xb8;
	[tilespmem:$0x18480] =	vst v63  }
0x3d8: {  	s23 =	simm.s32 $0x11C80  }
0x3d9: {  	[tilespmem:s23], [sflag:$0x2] =	stream.indirect_vreg.gather [hbm4b:s6+s3], $0x80, v3, vm0, $0xb8;
	[tilespmem:$0x18480] =	vst v63  }
0x3da: {  	v3 =	vld [tilespmem:$0x2E0];
	_ =	sdelay $0x4  }
0x3db: {  	v46 =	vshrl.u32 v3, $0x3  }
0x3dc: {  	v4 =	vmul.u32 $0x30, v46  }
0x3dd: {  	v3 =	vand.u32 $0x7, v3  }
0x3de: {  	v3 =	vor.u32 v3, v4  }
0x3df: {  	v4 =	vperm.xlane v3, v0;
	_ =	sdelay $0x1  }
0x3e0: {  	v4 =	vadd.s32 v1, v4;
	_ =	sdelay $0x3  }
0x3e1: {  	s24 =	simm.s32 $0x12480;
	v3 =	vperm.xlane v3, v2  }
0x3e2: {  	[tilespmem:s24], [sflag:$0x2] =	stream.indirect_vreg.gather [hbm4b:s1+s3], $0x80, v4, vm0, $0xb8;
	[tilespmem:$0x18480] =	vst v63  }
0x3e3: {  	s13 =	simm.s32 $0x12C80;
	v3 =	vadd.s32 v1, v3  }
0x3e4: {  	[tilespmem:s13], [sflag:$0x2] =	stream.indirect_vreg.gather [hbm4b:s5+s3], $0x80, v4, vm0, $0xb8;
	[tilespmem:$0x18480] =	vst v63  }
0x3e5: {  	s14 =	simm.s32 $0x13480  }
0x3e6: {  	[tilespmem:s14], [sflag:$0x2] =	stream.indirect_vreg.gather [hbm4b:s6+s3], $0x80, v4, vm0, $0xb8;
	[tilespmem:$0x18480] =	vst v63  }
0x3e7: {  	s15 =	simm.s32 $0x13C80  }
0x3e8: {  	[tilespmem:s15], [sflag:$0x2] =	stream.indirect_vreg.gather [hbm4b:s1+s3], $0x80, v3, vm0, $0xb8;
	[tilespmem:$0x18480] =	vst v63  }
0x3e9: {  	s16 =	simm.s32 $0x14480  }
0x3ea: {  	[tilespmem:s16], [sflag:$0x2] =	stream.indirect_vreg.gather [hbm4b:s5+s3], $0x80, v3, vm0, $0xb8;
	[tilespmem:$0x18480] =	vst v63  }
0x3eb: {  	s25 =	simm.s32 $0x14C80  }
0x3ec: {  	[tilespmem:s25], [sflag:$0x2] =	stream.indirect_vreg.gather [hbm4b:s6+s3], $0x80, v3, vm0, $0xb8;
	[tilespmem:$0x18480] =	vst v63  }
0x3ed: {  	v3 =	vld [tilespmem:$0x2F0];
	_ =	sdelay $0x4  }
0x3ee: {  	v47 =	vshrl.u32 v3, $0x3  }
0x3ef: {  	v4 =	vmul.u32 $0x30, v47  }
0x3f0: {  	v3 =	vand.u32 $0x7, v3  }
0x3f1: {  	v3 =	vor.u32 v3, v4  }
0x3f2: {  	v4 =	vperm.xlane v3, v0;
	_ =	sdelay $0x1  }
0x3f3: {  	v4 =	vadd.s32 v1, v4;
	_ =	sdelay $0x3  }
0x3f4: {  	s25 =	simm.s32 $0x15480;
	v3 =	vperm.xlane v3, v2  }
0x3f5: {  	[tilespmem:s25], [sflag:$0x2] =	stream.indirect_vreg.gather [hbm4b:s1+s3], $0x80, v4, vm0, $0xb8;
	[tilespmem:$0x18480] =	vst v63  }
0x3f6: {  	s17 =	simm.s32 $0x15C80;
	v3 =	vadd.s32 v1, v3  }
0x3f7: {  	[tilespmem:s17], [sflag:$0x2] =	stream.indirect_vreg.gather [hbm4b:s5+s3], $0x80, v4, vm0, $0xb8;
	[tilespmem:$0x18480] =	vst v63  }
0x3f8: {  	s18 =	simm.s32 $0x16480  }
0x3f9: {  	[tilespmem:s18], [sflag:$0x2] =	stream.indirect_vreg.gather [hbm4b:s6+s3], $0x80, v4, vm0, $0xb8;
	[tilespmem:$0x18480] =	vst v63  }
0x3fa: {  	s19 =	simm.s32 $0x16C80  }
0x3fb: {  	[tilespmem:s19], [sflag:$0x2] =	stream.indirect_vreg.gather [hbm4b:s1+s3], $0x80, v3, vm0, $0xb8;
	[tilespmem:$0x18480] =	vst v63  }
0x3fc: {  	s20 =	simm.s32 $0x17480  }
0x3fd: {  	[tilespmem:s20], [sflag:$0x2] =	stream.indirect_vreg.gather [hbm4b:s5+s3], $0x80, v3, vm0, $0xb8;
	[tilespmem:$0x18480] =	vst v63  }
0x3fe: {  	s21 =	simm.s32 $0x17C80  }
0x3ff: {  	[tilespmem:s21], [sflag:$0x2] =	stream.indirect_vreg.gather [hbm4b:s6+s3], $0x80, v3, vm0, $0xb8;
	[tilespmem:$0x18480] =	vst v63  }
0x400: {  	_ =	swait.ge [sflag:s29], $0xC000  }
0x401: {  	[sflag:s29] =	ssyncset.done $0x0  }
0x402: {  	s2 =	rddreg [dreg:$0x10];
	[sflag:s29] =	ssyncadd.s32 $0xFFFF4000  }
0x403: {  	[hbm4b:s2+s3] =	stream.linear.scatter [tilespmem:s26], [sflag:$0x4], $0xC000, $0x38;
	[tilespmem:$0x18480] =	vst v63  }
0x404: {  	_ =	swait.ge [sflag:s30], $0xC000  }
0x405: {  	[sflag:s30] =	ssyncset.done $0x0  }
0x406: {  	[sflag:s30] =	ssyncadd.s32 $0xFFFF4000  }
0x407: {  	v3 =	vld [tilespmem:$0x300];
	_ =	sdelay $0x4  }
0x408: {  	v48 =	vshrl.u32 v3, $0x3  }
0x409: {  	v4 =	vmul.u32 $0x30, v48  }
0x40a: {  	v3 =	vand.u32 $0x7, v3  }
0x40b: {  	v3 =	vor.u32 v3, v4  }
0x40c: {  	v4 =	vperm.xlane v3, v0;
	_ =	sdelay $0x1  }
0x40d: {  	v4 =	vadd.s32 v1, v4;
	_ =	sdelay $0x3  }
0x40e: {  	v3 =	vperm.xlane v3, v2  }
0x40f: {  	[tilespmem:s28], [sflag:$0x1] =	stream.indirect_vreg.gather [hbm4b:s1+s3], $0x80, v4, vm0, $0xb8;
	[tilespmem:$0x18480] =	vst v63  }
0x410: {  	s4 =	simm.s32 $0xC80;
	v3 =	vadd.s32 v1, v3  }
0x411: {  	[tilespmem:s4], [sflag:$0x1] =	stream.indirect_vreg.gather [hbm4b:s5+s3], $0x80, v4, vm0, $0xb8;
	[tilespmem:$0x18480] =	vst v63  }
0x412: {  	s10 =	simm.s32 $0x1480  }
0x413: {  	[tilespmem:s10], [sflag:$0x1] =	stream.indirect_vreg.gather [hbm4b:s6+s3], $0x80, v4, vm0, $0xb8;
	[tilespmem:$0x18480] =	vst v63  }
0x414: {  	s21 =	simm.s32 $0x1C80  }
0x415: {  	[tilespmem:s21], [sflag:$0x1] =	stream.indirect_vreg.gather [hbm4b:s1+s3], $0x80, v3, vm0, $0xb8;
	[tilespmem:$0x18480] =	vst v63  }
0x416: {  	s23 =	simm.s32 $0x2480  }
0x417: {  	[tilespmem:s23], [sflag:$0x1] =	stream.indirect_vreg.gather [hbm4b:s5+s3], $0x80, v3, vm0, $0xb8;
	[tilespmem:$0x18480] =	vst v63  }
0x418: {  	s24 =	simm.s32 $0x2C80  }
0x419: {  	[tilespmem:s24], [sflag:$0x1] =	stream.indirect_vreg.gather [hbm4b:s6+s3], $0x80, v3, vm0, $0xb8;
	[tilespmem:$0x18480] =	vst v63  }
0x41a: {  	v3 =	vld [tilespmem:$0x310];
	_ =	sdelay $0x4  }
0x41b: {  	v49 =	vshrl.u32 v3, $0x3  }
0x41c: {  	v4 =	vmul.u32 $0x30, v49  }
0x41d: {  	v3 =	vand.u32 $0x7, v3  }
0x41e: {  	v3 =	vor.u32 v3, v4  }
0x41f: {  	v4 =	vperm.xlane v3, v0;
	_ =	sdelay $0x1  }
0x420: {  	v4 =	vadd.s32 v1, v4;
	_ =	sdelay $0x3  }
0x421: {  	s25 =	simm.s32 $0x3480;
	v3 =	vperm.xlane v3, v2  }
0x422: {  	[tilespmem:s25], [sflag:$0x1] =	stream.indirect_vreg.gather [hbm4b:s1+s3], $0x80, v4, vm0, $0xb8;
	[tilespmem:$0x18480] =	vst v63  }
0x423: {  	s2 =	simm.s32 $0x3C80;
	v3 =	vadd.s32 v1, v3  }
0x424: {  	[tilespmem:s2], [sflag:$0x1] =	stream.indirect_vreg.gather [hbm4b:s5+s3], $0x80, v4, vm0, $0xb8;
	[tilespmem:$0x18480] =	vst v63  }
0x425: {  	s4 =	simm.s32 $0x4480  }
0x426: {  	[tilespmem:s4], [sflag:$0x1] =	stream.indirect_vreg.gather [hbm4b:s6+s3], $0x80, v4, vm0, $0xb8;
	[tilespmem:$0x18480] =	vst v63  }
0x427: {  	s10 =	simm.s32 $0x4C80  }
0x428: {  	[tilespmem:s10], [sflag:$0x1] =	stream.indirect_vreg.gather [hbm4b:s1+s3], $0x80, v3, vm0, $0xb8;
	[tilespmem:$0x18480] =	vst v63  }
0x429: {  	s21 =	simm.s32 $0x5480  }
0x42a: {  	[tilespmem:s21], [sflag:$0x1] =	stream.indirect_vreg.gather [hbm4b:s5+s3], $0x80, v3, vm0, $0xb8;
	[tilespmem:$0x18480] =	vst v63  }
0x42b: {  	s23 =	simm.s32 $0x5C80  }
0x42c: {  	[tilespmem:s23], [sflag:$0x1] =	stream.indirect_vreg.gather [hbm4b:s6+s3], $0x80, v3, vm0, $0xb8;
	[tilespmem:$0x18480] =	vst v63  }
0x42d: {  	v3 =	vld [tilespmem:$0x320];
	_ =	sdelay $0x4  }
0x42e: {  	v50 =	vshrl.u32 v3, $0x3  }
0x42f: {  	v4 =	vmul.u32 $0x30, v50  }
0x430: {  	v3 =	vand.u32 $0x7, v3  }
0x431: {  	v3 =	vor.u32 v3, v4  }
0x432: {  	v4 =	vperm.xlane v3, v0;
	_ =	sdelay $0x1  }
0x433: {  	v4 =	vadd.s32 v1, v4;
	_ =	sdelay $0x3  }
0x434: {  	s24 =	simm.s32 $0x6480;
	v3 =	vperm.xlane v3, v2  }
0x435: {  	[tilespmem:s24], [sflag:$0x1] =	stream.indirect_vreg.gather [hbm4b:s1+s3], $0x80, v4, vm0, $0xb8;
	[tilespmem:$0x18480] =	vst v63  }
0x436: {  	s25 =	simm.s32 $0x6C80;
	v3 =	vadd.s32 v1, v3  }
0x437: {  	[tilespmem:s25], [sflag:$0x1] =	stream.indirect_vreg.gather [hbm4b:s5+s3], $0x80, v4, vm0, $0xb8;
	[tilespmem:$0x18480] =	vst v63  }
0x438: {  	s2 =	simm.s32 $0x7480  }
0x439: {  	[tilespmem:s2], [sflag:$0x1] =	stream.indirect_vreg.gather [hbm4b:s6+s3], $0x80, v4, vm0, $0xb8;
	[tilespmem:$0x18480] =	vst v63  }
0x43a: {  	s4 =	simm.s32 $0x7C80  }
0x43b: {  	[tilespmem:s4], [sflag:$0x1] =	stream.indirect_vreg.gather [hbm4b:s1+s3], $0x80, v3, vm0, $0xb8;
	[tilespmem:$0x18480] =	vst v63  }
0x43c: {  	s10 =	simm.s32 $0x8480  }
0x43d: {  	[tilespmem:s10], [sflag:$0x1] =	stream.indirect_vreg.gather [hbm4b:s5+s3], $0x80, v3, vm0, $0xb8;
	[tilespmem:$0x18480] =	vst v63  }
0x43e: {  	s21 =	simm.s32 $0x8C80  }
0x43f: {  	[tilespmem:s21], [sflag:$0x1] =	stream.indirect_vreg.gather [hbm4b:s6+s3], $0x80, v3, vm0, $0xb8;
	[tilespmem:$0x18480] =	vst v63  }
0x440: {  	v3 =	vld [tilespmem:$0x330];
	_ =	sdelay $0x4  }
0x441: {  	v51 =	vshrl.u32 v3, $0x3  }
0x442: {  	v4 =	vmul.u32 $0x30, v51  }
0x443: {  	v3 =	vand.u32 $0x7, v3  }
0x444: {  	v3 =	vor.u32 v3, v4  }
0x445: {  	v4 =	vperm.xlane v3, v0;
	_ =	sdelay $0x1  }
0x446: {  	v4 =	vadd.s32 v1, v4;
	_ =	sdelay $0x3  }
0x447: {  	s23 =	simm.s32 $0x9480;
	v3 =	vperm.xlane v3, v2  }
0x448: {  	[tilespmem:s23], [sflag:$0x1] =	stream.indirect_vreg.gather [hbm4b:s1+s3], $0x80, v4, vm0, $0xb8;
	[tilespmem:$0x18480] =	vst v63  }
0x449: {  	s24 =	simm.s32 $0x9C80;
	v3 =	vadd.s32 v1, v3  }
0x44a: {  	[tilespmem:s24], [sflag:$0x1] =	stream.indirect_vreg.gather [hbm4b:s5+s3], $0x80, v4, vm0, $0xb8;
	[tilespmem:$0x18480] =	vst v63  }
0x44b: {  	s25 =	simm.s32 $0xA480  }
0x44c: {  	[tilespmem:s25], [sflag:$0x1] =	stream.indirect_vreg.gather [hbm4b:s6+s3], $0x80, v4, vm0, $0xb8;
	[tilespmem:$0x18480] =	vst v63  }
0x44d: {  	s2 =	simm.s32 $0xAC80  }
0x44e: {  	[tilespmem:s2], [sflag:$0x1] =	stream.indirect_vreg.gather [hbm4b:s1+s3], $0x80, v3, vm0, $0xb8;
	[tilespmem:$0x18480] =	vst v63  }
0x44f: {  	s4 =	simm.s32 $0xB480  }
0x450: {  	[tilespmem:s4], [sflag:$0x1] =	stream.indirect_vreg.gather [hbm4b:s5+s3], $0x80, v3, vm0, $0xb8;
	[tilespmem:$0x18480] =	vst v63  }
0x451: {  	s10 =	simm.s32 $0xBC80  }
0x452: {  	[tilespmem:s10], [sflag:$0x1] =	stream.indirect_vreg.gather [hbm4b:s6+s3], $0x80, v3, vm0, $0xb8;
	[tilespmem:$0x18480] =	vst v63  }
0x453: {  	_ =	swait.ge [sflag:s7], $0xC000  }
0x454: {  	[sflag:s7] =	ssyncset.done $0x0  }
0x455: {  	s21 =	rddreg [dreg:$0x11];
	[sflag:s7] =	ssyncadd.s32 $0xFFFF4000  }
0x456: {  	[hbm4b:s21+s3] =	stream.linear.scatter [tilespmem:s28], [sflag:$0x3], $0xC000, $0x38;
	[tilespmem:$0x18480] =	vst v63  }
0x457: {  	_ =	swait.ge [sflag:s31], $0xC000  }
0x458: {  	[sflag:s31] =	ssyncset.done $0x0  }
0x459: {  	[sflag:s31] =	ssyncadd.s32 $0xFFFF4000  }
0x45a: {  	v3 =	vld [tilespmem:$0x340];
	_ =	sdelay $0x4  }
0x45b: {  	v52 =	vshrl.u32 v3, $0x3  }
0x45c: {  	v4 =	vmul.u32 $0x30, v52  }
0x45d: {  	v3 =	vand.u32 $0x7, v3  }
0x45e: {  	v3 =	vor.u32 v3, v4  }
0x45f: {  	v4 =	vperm.xlane v3, v0;
	_ =	sdelay $0x1  }
0x460: {  	v4 =	vadd.s32 v1, v4;
	_ =	sdelay $0x3  }
0x461: {  	v3 =	vperm.xlane v3, v2  }
0x462: {  	[tilespmem:s26], [sflag:$0x2] =	stream.indirect_vreg.gather [hbm4b:s1+s3], $0x80, v4, vm0, $0xb8;
	[tilespmem:$0x18480] =	vst v63  }
0x463: {  	s23 =	simm.s32 $0xCC80;
	v3 =	vadd.s32 v1, v3  }
0x464: {  	[tilespmem:s23], [sflag:$0x2] =	stream.indirect_vreg.gather [hbm4b:s5+s3], $0x80, v4, vm0, $0xb8;
	[tilespmem:$0x18480] =	vst v63  }
0x465: {  	s24 =	simm.s32 $0xD480  }
0x466: {  	[tilespmem:s24], [sflag:$0x2] =	stream.indirect_vreg.gather [hbm4b:s6+s3], $0x80, v4, vm0, $0xb8;
	[tilespmem:$0x18480] =	vst v63  }
0x467: {  	s8 =	simm.s32 $0xDC80  }
0x468: {  	[tilespmem:s8], [sflag:$0x2] =	stream.indirect_vreg.gather [hbm4b:s1+s3], $0x80, v3, vm0, $0xb8;
	[tilespmem:$0x18480] =	vst v63  }
0x469: {  	s25 =	simm.s32 $0xE480  }
0x46a: {  	[tilespmem:s25], [sflag:$0x2] =	stream.indirect_vreg.gather [hbm4b:s5+s3], $0x80, v3, vm0, $0xb8;
	[tilespmem:$0x18480] =	vst v63  }
0x46b: {  	s8 =	simm.s32 $0xEC80  }
0x46c: {  	[tilespmem:s8], [sflag:$0x2] =	stream.indirect_vreg.gather [hbm4b:s6+s3], $0x80, v3, vm0, $0xb8;
	[tilespmem:$0x18480] =	vst v63  }
0x46d: {  	v3 =	vld [tilespmem:$0x350];
	_ =	sdelay $0x4  }
0x46e: {  	v53 =	vshrl.u32 v3, $0x3  }
0x46f: {  	v4 =	vmul.u32 $0x30, v53  }
0x470: {  	v3 =	vand.u32 $0x7, v3  }
0x471: {  	v3 =	vor.u32 v3, v4  }
0x472: {  	v4 =	vperm.xlane v3, v0;
	_ =	sdelay $0x1  }
0x473: {  	v4 =	vadd.s32 v1, v4;
	_ =	sdelay $0x3  }
0x474: {  	s9 =	simm.s32 $0xF480;
	v3 =	vperm.xlane v3, v2  }
0x475: {  	[tilespmem:s9], [sflag:$0x2] =	stream.indirect_vreg.gather [hbm4b:s1+s3], $0x80, v4, vm0, $0xb8;
	[tilespmem:$0x18480] =	vst v63  }
0x476: {  	s22 =	simm.s32 $0xFC80;
	v3 =	vadd.s32 v1, v3  }
0x477: {  	[tilespmem:s22], [sflag:$0x2] =	stream.indirect_vreg.gather [hbm4b:s5+s3], $0x80, v4, vm0, $0xb8;
	[tilespmem:$0x18480] =	vst v63  }
0x478: {  	s22 =	simm.s32 $0x10480  }
0x479: {  	[tilespmem:s22], [sflag:$0x2] =	stream.indirect_vreg.gather [hbm4b:s6+s3], $0x80, v4, vm0, $0xb8;
	[tilespmem:$0x18480] =	vst v63  }
0x47a: {  	s11 =	simm.s32 $0x10C80  }
0x47b: {  	[tilespmem:s11], [sflag:$0x2] =	stream.indirect_vreg.gather [hbm4b:s1+s3], $0x80, v3, vm0, $0xb8;
	[tilespmem:$0x18480] =	vst v63  }
0x47c: {  	s12 =	simm.s32 $0x11480  }
0x47d: {  	[tilespmem:s12], [sflag:$0x2] =	stream.indirect_vreg.gather [hbm4b:s5+s3], $0x80, v3, vm0, $0xb8;
	[tilespmem:$0x18480] =	vst v63  }
0x47e: {  	s24 =	simm.s32 $0x11C80  }
0x47f: {  	[tilespmem:s24], [sflag:$0x2] =	stream.indirect_vreg.gather [hbm4b:s6+s3], $0x80, v3, vm0, $0xb8;
	[tilespmem:$0x18480] =	vst v63  }
0x480: {  	v3 =	vld [tilespmem:$0x360];
	_ =	sdelay $0x4  }
0x481: {  	v54 =	vshrl.u32 v3, $0x3  }
0x482: {  	v4 =	vmul.u32 $0x30, v54  }
0x483: {  	v3 =	vand.u32 $0x7, v3  }
0x484: {  	v3 =	vor.u32 v3, v4  }
0x485: {  	v4 =	vperm.xlane v3, v0;
	_ =	sdelay $0x1  }
0x486: {  	v4 =	vadd.s32 v1, v4;
	_ =	sdelay $0x3  }
0x487: {  	s25 =	simm.s32 $0x12480;
	v3 =	vperm.xlane v3, v2  }
0x488: {  	[tilespmem:s25], [sflag:$0x2] =	stream.indirect_vreg.gather [hbm4b:s1+s3], $0x80, v4, vm0, $0xb8;
	[tilespmem:$0x18480] =	vst v63  }
0x489: {  	s13 =	simm.s32 $0x12C80;
	v3 =	vadd.s32 v1, v3  }
0x48a: {  	[tilespmem:s13], [sflag:$0x2] =	stream.indirect_vreg.gather [hbm4b:s5+s3], $0x80, v4, vm0, $0xb8;
	[tilespmem:$0x18480] =	vst v63  }
0x48b: {  	s14 =	simm.s32 $0x13480  }
0x48c: {  	[tilespmem:s14], [sflag:$0x2] =	stream.indirect_vreg.gather [hbm4b:s6+s3], $0x80, v4, vm0, $0xb8;
	[tilespmem:$0x18480] =	vst v63  }
0x48d: {  	s15 =	simm.s32 $0x13C80  }
0x48e: {  	[tilespmem:s15], [sflag:$0x2] =	stream.indirect_vreg.gather [hbm4b:s1+s3], $0x80, v3, vm0, $0xb8;
	[tilespmem:$0x18480] =	vst v63  }
0x48f: {  	s16 =	simm.s32 $0x14480  }
0x490: {  	[tilespmem:s16], [sflag:$0x2] =	stream.indirect_vreg.gather [hbm4b:s5+s3], $0x80, v3, vm0, $0xb8;
	[tilespmem:$0x18480] =	vst v63  }
0x491: {  	s0 =	simm.s32 $0x14C80  }
0x492: {  	[tilespmem:s0], [sflag:$0x2] =	stream.indirect_vreg.gather [hbm4b:s6+s3], $0x80, v3, vm0, $0xb8;
	[tilespmem:$0x18480] =	vst v63  }
0x493: {  	v3 =	vld [tilespmem:$0x370];
	_ =	sdelay $0x4  }
0x494: {  	v55 =	vshrl.u32 v3, $0x3  }
0x495: {  	v4 =	vmul.u32 $0x30, v55  }
0x496: {  	v3 =	vand.u32 $0x7, v3  }
0x497: {  	v3 =	vor.u32 v3, v4  }
0x498: {  	v4 =	vperm.xlane v3, v0;
	_ =	sdelay $0x1  }
0x499: {  	v4 =	vadd.s32 v1, v4;
	_ =	sdelay $0x3  }
0x49a: {  	s0 =	simm.s32 $0x15480;
	v3 =	vperm.xlane v3, v2  }
0x49b: {  	[tilespmem:s0], [sflag:$0x2] =	stream.indirect_vreg.gather [hbm4b:s1+s3], $0x80, v4, vm0, $0xb8;
	[tilespmem:$0x18480] =	vst v63  }
0x49c: {  	s17 =	simm.s32 $0x15C80;
	v3 =	vadd.s32 v1, v3  }
0x49d: {  	[tilespmem:s17], [sflag:$0x2] =	stream.indirect_vreg.gather [hbm4b:s5+s3], $0x80, v4, vm0, $0xb8;
	[tilespmem:$0x18480] =	vst v63  }
0x49e: {  	s18 =	simm.s32 $0x16480  }
0x49f: {  	[tilespmem:s18], [sflag:$0x2] =	stream.indirect_vreg.gather [hbm4b:s6+s3], $0x80, v4, vm0, $0xb8;
	[tilespmem:$0x18480] =	vst v63  }
0x4a0: {  	s19 =	simm.s32 $0x16C80  }
0x4a1: {  	[tilespmem:s19], [sflag:$0x2] =	stream.indirect_vreg.gather [hbm4b:s1+s3], $0x80, v3, vm0, $0xb8;
	[tilespmem:$0x18480] =	vst v63  }
0x4a2: {  	s20 =	simm.s32 $0x17480  }
0x4a3: {  	[tilespmem:s20], [sflag:$0x2] =	stream.indirect_vreg.gather [hbm4b:s5+s3], $0x80, v3, vm0, $0xb8;
	[tilespmem:$0x18480] =	vst v63  }
0x4a4: {  	s0 =	simm.s32 $0x17C80  }
0x4a5: {  	[tilespmem:s0], [sflag:$0x2] =	stream.indirect_vreg.gather [hbm4b:s6+s3], $0x80, v3, vm0, $0xb8;
	[tilespmem:$0x18480] =	vst v63  }
0x4a6: {  	_ =	swait.ge [sflag:s29], $0xC000  }
0x4a7: {  	[sflag:s29] =	ssyncset.done $0x0  }
0x4a8: {  	s0 =	rddreg [dreg:$0x12];
	[sflag:s29] =	ssyncadd.s32 $0xFFFF4000  }
0x4a9: {  	[hbm4b:s0+s3] =	stream.linear.scatter [tilespmem:s26], [sflag:$0x4], $0xC000, $0x38;
	[tilespmem:$0x18480] =	vst v63  }
0x4aa: {  	_ =	swait.ge [sflag:s30], $0xC000  }
0x4ab: {  	[sflag:s30] =	ssyncset.done $0x0  }
0x4ac: {  	[sflag:s30] =	ssyncadd.s32 $0xFFFF4000  }
0x4ad: {  	v3 =	vld [tilespmem:$0x380];
	_ =	sdelay $0x4  }
0x4ae: {  	v56 =	vshrl.u32 v3, $0x3  }
0x4af: {  	v4 =	vmul.u32 $0x30, v56  }
0x4b0: {  	v3 =	vand.u32 $0x7, v3  }
0x4b1: {  	v3 =	vor.u32 v3, v4  }
0x4b2: {  	v4 =	vperm.xlane v3, v0;
	_ =	sdelay $0x1  }
0x4b3: {  	v4 =	vadd.s32 v1, v4;
	_ =	sdelay $0x3  }
0x4b4: {  	v3 =	vperm.xlane v3, v2  }
0x4b5: {  	[tilespmem:s28], [sflag:$0x1] =	stream.indirect_vreg.gather [hbm4b:s1+s3], $0x80, v4, vm0, $0xb8;
	[tilespmem:$0x18480] =	vst v63  }
0x4b6: {  	s0 =	simm.s32 $0xC80;
	v3 =	vadd.s32 v1, v3  }
0x4b7: {  	[tilespmem:s0], [sflag:$0x1] =	stream.indirect_vreg.gather [hbm4b:s5+s3], $0x80, v4, vm0, $0xb8;
	[tilespmem:$0x18480] =	vst v63  }
0x4b8: {  	s0 =	simm.s32 $0x1480  }
0x4b9: {  	[tilespmem:s0], [sflag:$0x1] =	stream.indirect_vreg.gather [hbm4b:s6+s3], $0x80, v4, vm0, $0xb8;
	[tilespmem:$0x18480] =	vst v63  }
0x4ba: {  	s0 =	simm.s32 $0x1C80  }
0x4bb: {  	[tilespmem:s0], [sflag:$0x1] =	stream.indirect_vreg.gather [hbm4b:s1+s3], $0x80, v3, vm0, $0xb8;
	[tilespmem:$0x18480] =	vst v63  }
0x4bc: {  	s0 =	simm.s32 $0x2480  }
0x4bd: {  	[tilespmem:s0], [sflag:$0x1] =	stream.indirect_vreg.gather [hbm4b:s5+s3], $0x80, v3, vm0, $0xb8;
	[tilespmem:$0x18480] =	vst v63  }
0x4be: {  	s0 =	simm.s32 $0x2C80  }
0x4bf: {  	[tilespmem:s0], [sflag:$0x1] =	stream.indirect_vreg.gather [hbm4b:s6+s3], $0x80, v3, vm0, $0xb8;
	[tilespmem:$0x18480] =	vst v63  }
0x4c0: {  	v3 =	vld [tilespmem:$0x390];
	_ =	sdelay $0x4  }
0x4c1: {  	v57 =	vshrl.u32 v3, $0x3  }
0x4c2: {  	v4 =	vmul.u32 $0x30, v57  }
0x4c3: {  	v3 =	vand.u32 $0x7, v3  }
0x4c4: {  	v3 =	vor.u32 v3, v4  }
0x4c5: {  	v4 =	vperm.xlane v3, v0;
	_ =	sdelay $0x1  }
0x4c6: {  	v4 =	vadd.s32 v1, v4;
	_ =	sdelay $0x3  }
0x4c7: {  	s0 =	simm.s32 $0x3480;
	v3 =	vperm.xlane v3, v2  }
0x4c8: {  	[tilespmem:s0], [sflag:$0x1] =	stream.indirect_vreg.gather [hbm4b:s1+s3], $0x80, v4, vm0, $0xb8;
	[tilespmem:$0x18480] =	vst v63  }
0x4c9: {  	v3 =	vadd.s32 v1, v3;
	s0 =	simm.s32 $0x3C80  }
0x4ca: {  	[tilespmem:s0], [sflag:$0x1] =	stream.indirect_vreg.gather [hbm4b:s5+s3], $0x80, v4, vm0, $0xb8;
	[tilespmem:$0x18480] =	vst v63  }
0x4cb: {  	s0 =	simm.s32 $0x4480  }
0x4cc: {  	[tilespmem:s0], [sflag:$0x1] =	stream.indirect_vreg.gather [hbm4b:s6+s3], $0x80, v4, vm0, $0xb8;
	[tilespmem:$0x18480] =	vst v63  }
0x4cd: {  	s0 =	simm.s32 $0x4C80  }
0x4ce: {  	[tilespmem:s0], [sflag:$0x1] =	stream.indirect_vreg.gather [hbm4b:s1+s3], $0x80, v3, vm0, $0xb8;
	[tilespmem:$0x18480] =	vst v63  }
0x4cf: {  	s0 =	simm.s32 $0x5480  }
0x4d0: {  	[tilespmem:s0], [sflag:$0x1] =	stream.indirect_vreg.gather [hbm4b:s5+s3], $0x80, v3, vm0, $0xb8;
	[tilespmem:$0x18480] =	vst v63  }
0x4d1: {  	s0 =	simm.s32 $0x5C80  }
0x4d2: {  	[tilespmem:s0], [sflag:$0x1] =	stream.indirect_vreg.gather [hbm4b:s6+s3], $0x80, v3, vm0, $0xb8;
	[tilespmem:$0x18480] =	vst v63  }
0x4d3: {  	v3 =	vld [tilespmem:$0x3A0];
	_ =	sdelay $0x4  }
0x4d4: {  	v58 =	vshrl.u32 v3, $0x3  }
0x4d5: {  	v4 =	vmul.u32 $0x30, v58  }
0x4d6: {  	v3 =	vand.u32 $0x7, v3  }
0x4d7: {  	v3 =	vor.u32 v3, v4  }
0x4d8: {  	v4 =	vperm.xlane v3, v0;
	_ =	sdelay $0x1  }
0x4d9: {  	v4 =	vadd.s32 v1, v4;
	_ =	sdelay $0x3  }
0x4da: {  	s0 =	simm.s32 $0x6480;
	v3 =	vperm.xlane v3, v2  }
0x4db: {  	[tilespmem:s0], [sflag:$0x1] =	stream.indirect_vreg.gather [hbm4b:s1+s3], $0x80, v4, vm0, $0xb8;
	[tilespmem:$0x18480] =	vst v63  }
0x4dc: {  	v3 =	vadd.s32 v1, v3;
	s0 =	simm.s32 $0x6C80  }
0x4dd: {  	[tilespmem:s0], [sflag:$0x1] =	stream.indirect_vreg.gather [hbm4b:s5+s3], $0x80, v4, vm0, $0xb8;
	[tilespmem:$0x18480] =	vst v63  }
0x4de: {  	s0 =	simm.s32 $0x7480  }
0x4df: {  	[tilespmem:s0], [sflag:$0x1] =	stream.indirect_vreg.gather [hbm4b:s6+s3], $0x80, v4, vm0, $0xb8;
	[tilespmem:$0x18480] =	vst v63  }
0x4e0: {  	s0 =	simm.s32 $0x7C80  }
0x4e1: {  	[tilespmem:s0], [sflag:$0x1] =	stream.indirect_vreg.gather [hbm4b:s1+s3], $0x80, v3, vm0, $0xb8;
	[tilespmem:$0x18480] =	vst v63  }
0x4e2: {  	s0 =	simm.s32 $0x8480  }
0x4e3: {  	[tilespmem:s0], [sflag:$0x1] =	stream.indirect_vreg.gather [hbm4b:s5+s3], $0x80, v3, vm0, $0xb8;
	[tilespmem:$0x18480] =	vst v63  }
0x4e4: {  	s0 =	simm.s32 $0x8C80  }
0x4e5: {  	[tilespmem:s0], [sflag:$0x1] =	stream.indirect_vreg.gather [hbm4b:s6+s3], $0x80, v3, vm0, $0xb8;
	[tilespmem:$0x18480] =	vst v63  }
0x4e6: {  	v3 =	vld [tilespmem:$0x3B0];
	_ =	sdelay $0x4  }
0x4e7: {  	v59 =	vshrl.u32 v3, $0x3  }
0x4e8: {  	v4 =	vmul.u32 $0x30, v59  }
0x4e9: {  	v3 =	vand.u32 $0x7, v3  }
0x4ea: {  	v3 =	vor.u32 v3, v4  }
0x4eb: {  	v4 =	vperm.xlane v3, v0;
	_ =	sdelay $0x1  }
0x4ec: {  	v4 =	vadd.s32 v1, v4;
	_ =	sdelay $0x3  }
0x4ed: {  	s0 =	simm.s32 $0x9480;
	v3 =	vperm.xlane v3, v2  }
0x4ee: {  	[tilespmem:s0], [sflag:$0x1] =	stream.indirect_vreg.gather [hbm4b:s1+s3], $0x80, v4, vm0, $0xb8;
	[tilespmem:$0x18480] =	vst v63  }
0x4ef: {  	v3 =	vadd.s32 v1, v3;
	s0 =	simm.s32 $0x9C80  }
0x4f0: {  	[tilespmem:s0], [sflag:$0x1] =	stream.indirect_vreg.gather [hbm4b:s5+s3], $0x80, v4, vm0, $0xb8;
	[tilespmem:$0x18480] =	vst v63  }
0x4f1: {  	s0 =	simm.s32 $0xA480  }
0x4f2: {  	[tilespmem:s0], [sflag:$0x1] =	stream.indirect_vreg.gather [hbm4b:s6+s3], $0x80, v4, vm0, $0xb8;
	[tilespmem:$0x18480] =	vst v63  }
0x4f3: {  	s0 =	simm.s32 $0xAC80  }
0x4f4: {  	[tilespmem:s0], [sflag:$0x1] =	stream.indirect_vreg.gather [hbm4b:s1+s3], $0x80, v3, vm0, $0xb8;
	[tilespmem:$0x18480] =	vst v63  }
0x4f5: {  	s0 =	simm.s32 $0xB480  }
0x4f6: {  	[tilespmem:s0], [sflag:$0x1] =	stream.indirect_vreg.gather [hbm4b:s5+s3], $0x80, v3, vm0, $0xb8;
	[tilespmem:$0x18480] =	vst v63  }
0x4f7: {  	s0 =	simm.s32 $0xBC80  }
0x4f8: {  	[tilespmem:s0], [sflag:$0x1] =	stream.indirect_vreg.gather [hbm4b:s6+s3], $0x80, v3, vm0, $0xb8;
	[tilespmem:$0x18480] =	vst v63  }
0x4f9: {  	_ =	swait.ge [sflag:s7], $0xC000  }
0x4fa: {  	[sflag:s7] =	ssyncset.done $0x0  }
0x4fb: {  	s0 =	rddreg [dreg:$0x13];
	[sflag:s7] =	ssyncadd.s32 $0xFFFF4000  }
0x4fc: {  	[hbm4b:s0+s3] =	stream.linear.scatter [tilespmem:s28], [sflag:$0x3], $0xC000, $0x38;
	[tilespmem:$0x18480] =	vst v63  }
0x4fd: {  	_ =	swait.ge [sflag:s31], $0xC000  }
0x4fe: {  	[sflag:s31] =	ssyncset.done $0x0  }
0x4ff: {  	[sflag:s31] =	ssyncadd.s32 $0xFFFF4000  }
0x500: {  	v3 =	vld [tilespmem:$0x3C0];
	_ =	sdelay $0x4  }
0x501: {  	v60 =	vshrl.u32 v3, $0x3  }
0x502: {  	v4 =	vmul.u32 $0x30, v60  }
0x503: {  	v3 =	vand.u32 $0x7, v3  }
0x504: {  	v3 =	vor.u32 v3, v4  }
0x505: {  	v4 =	vperm.xlane v3, v0;
	_ =	sdelay $0x1  }
0x506: {  	v4 =	vadd.s32 v1, v4;
	_ =	sdelay $0x3  }
0x507: {  	v3 =	vperm.xlane v3, v2  }
0x508: {  	[tilespmem:s26], [sflag:$0x2] =	stream.indirect_vreg.gather [hbm4b:s1+s3], $0x80, v4, vm0, $0xb8;
	[tilespmem:$0x18480] =	vst v63  }
0x509: {  	s21 =	simm.s32 $0xCC80;
	v3 =	vadd.s32 v1, v3  }
0x50a: {  	[tilespmem:s21], [sflag:$0x2] =	stream.indirect_vreg.gather [hbm4b:s5+s3], $0x80, v4, vm0, $0xb8;
	[tilespmem:$0x18480] =	vst v63  }
0x50b: {  	s2 =	simm.s32 $0xD480  }
0x50c: {  	[tilespmem:s2], [sflag:$0x2] =	stream.indirect_vreg.gather [hbm4b:s6+s3], $0x80, v4, vm0, $0xb8;
	[tilespmem:$0x18480] =	vst v63  }
0x50d: {  	s4 =	simm.s32 $0xDC80  }
0x50e: {  	[tilespmem:s4], [sflag:$0x2] =	stream.indirect_vreg.gather [hbm4b:s1+s3], $0x80, v3, vm0, $0xb8;
	[tilespmem:$0x18480] =	vst v63  }
0x50f: {  	s10 =	simm.s32 $0xE480  }
0x510: {  	[tilespmem:s10], [sflag:$0x2] =	stream.indirect_vreg.gather [hbm4b:s5+s3], $0x80, v3, vm0, $0xb8;
	[tilespmem:$0x18480] =	vst v63  }
0x511: {  	s23 =	simm.s32 $0xEC80  }
0x512: {  	[tilespmem:s23], [sflag:$0x2] =	stream.indirect_vreg.gather [hbm4b:s6+s3], $0x80, v3, vm0, $0xb8;
	[tilespmem:$0x18480] =	vst v63  }
0x513: {  	v3 =	vld [tilespmem:$0x3D0];
	_ =	sdelay $0x4  }
0x514: {  	v61 =	vshrl.u32 v3, $0x3  }
0x515: {  	v4 =	vmul.u32 $0x30, v61  }
0x516: {  	v3 =	vand.u32 $0x7, v3  }
0x517: {  	v3 =	vor.u32 v3, v4  }
0x518: {  	v4 =	vperm.xlane v3, v0;
	_ =	sdelay $0x1  }
0x519: {  	v4 =	vadd.s32 v1, v4;
	_ =	sdelay $0x3  }
0x51a: {  	s8 =	simm.s32 $0xF480;
	v3 =	vperm.xlane v3, v2  }
0x51b: {  	[tilespmem:s8], [sflag:$0x2] =	stream.indirect_vreg.gather [hbm4b:s1+s3], $0x80, v4, vm0, $0xb8;
	[tilespmem:$0x18480] =	vst v63  }
0x51c: {  	s9 =	simm.s32 $0xFC80;
	v3 =	vadd.s32 v1, v3  }
0x51d: {  	[tilespmem:s9], [sflag:$0x2] =	stream.indirect_vreg.gather [hbm4b:s5+s3], $0x80, v4, vm0, $0xb8;
	[tilespmem:$0x18480] =	vst v63  }
0x51e: {  	s22 =	simm.s32 $0x10480  }
0x51f: {  	[tilespmem:s22], [sflag:$0x2] =	stream.indirect_vreg.gather [hbm4b:s6+s3], $0x80, v4, vm0, $0xb8;
	[tilespmem:$0x18480] =	vst v63  }
0x520: {  	s11 =	simm.s32 $0x10C80  }
0x521: {  	[tilespmem:s11], [sflag:$0x2] =	stream.indirect_vreg.gather [hbm4b:s1+s3], $0x80, v3, vm0, $0xb8;
	[tilespmem:$0x18480] =	vst v63  }
0x522: {  	s12 =	simm.s32 $0x11480  }
0x523: {  	[tilespmem:s12], [sflag:$0x2] =	stream.indirect_vreg.gather [hbm4b:s5+s3], $0x80, v3, vm0, $0xb8;
	[tilespmem:$0x18480] =	vst v63  }
0x524: {  	s24 =	simm.s32 $0x11C80  }
0x525: {  	[tilespmem:s24], [sflag:$0x2] =	stream.indirect_vreg.gather [hbm4b:s6+s3], $0x80, v3, vm0, $0xb8;
	[tilespmem:$0x18480] =	vst v63  }
0x526: {  	v3 =	vld [tilespmem:$0x3E0];
	_ =	sdelay $0x4  }
0x527: {  	v62 =	vshrl.u32 v3, $0x3  }
0x528: {  	v4 =	vmul.u32 $0x30, v62  }
0x529: {  	v3 =	vand.u32 $0x7, v3  }
0x52a: {  	v3 =	vor.u32 v3, v4  }
0x52b: {  	v4 =	vperm.xlane v3, v0;
	_ =	sdelay $0x1  }
0x52c: {  	v4 =	vadd.s32 v1, v4;
	_ =	sdelay $0x3  }
0x52d: {  	s25 =	simm.s32 $0x12480;
	v3 =	vperm.xlane v3, v2  }
0x52e: {  	[tilespmem:s25], [sflag:$0x2] =	stream.indirect_vreg.gather [hbm4b:s1+s3], $0x80, v4, vm0, $0xb8;
	[tilespmem:$0x18480] =	vst v63  }
0x52f: {  	s13 =	simm.s32 $0x12C80;
	v3 =	vadd.s32 v1, v3  }
0x530: {  	[tilespmem:s13], [sflag:$0x2] =	stream.indirect_vreg.gather [hbm4b:s5+s3], $0x80, v4, vm0, $0xb8;
	[tilespmem:$0x18480] =	vst v63  }
0x531: {  	s14 =	simm.s32 $0x13480  }
0x532: {  	[tilespmem:s14], [sflag:$0x2] =	stream.indirect_vreg.gather [hbm4b:s6+s3], $0x80, v4, vm0, $0xb8;
	[tilespmem:$0x18480] =	vst v63  }
0x533: {  	s15 =	simm.s32 $0x13C80  }
0x534: {  	[tilespmem:s15], [sflag:$0x2] =	stream.indirect_vreg.gather [hbm4b:s1+s3], $0x80, v3, vm0, $0xb8;
	[tilespmem:$0x18480] =	vst v63  }
0x535: {  	s16 =	simm.s32 $0x14480  }
0x536: {  	[tilespmem:s16], [sflag:$0x2] =	stream.indirect_vreg.gather [hbm4b:s5+s3], $0x80, v3, vm0, $0xb8;
	[tilespmem:$0x18480] =	vst v63  }
0x537: {  	s22 =	simm.s32 $0x14C80  }
0x538: {  	[tilespmem:s22], [sflag:$0x2] =	stream.indirect_vreg.gather [hbm4b:s6+s3], $0x80, v3, vm0, $0xb8;
	[tilespmem:$0x18480] =	vst v63  }
0x539: {  	v3 =	vld [tilespmem:$0x3F0];
	_ =	sdelay $0x4  }
0x53a: {  	v63 =	vshrl.u32 v3, $0x3  }
0x53b: {  	v4 =	vmul.u32 $0x30, v63  }
0x53c: {  	v3 =	vand.u32 $0x7, v3  }
0x53d: {  	v3 =	vor.u32 v3, v4  }
0x53e: {  	v4 =	vperm.xlane v3, v0;
	_ =	sdelay $0x1  }
0x53f: {  	v4 =	vadd.s32 v1, v4;
	_ =	sdelay $0x3  }
0x540: {  	s23 =	simm.s32 $0x15480;
	v3 =	vperm.xlane v3, v2  }
0x541: {  	[tilespmem:s23], [sflag:$0x2] =	stream.indirect_vreg.gather [hbm4b:s1+s3], $0x80, v4, vm0, $0xb8;
	[tilespmem:$0x18480] =	vst v63  }
0x542: {  	s17 =	simm.s32 $0x15C80;
	v3 =	vadd.s32 v1, v3  }
0x543: {  	[tilespmem:s17], [sflag:$0x2] =	stream.indirect_vreg.gather [hbm4b:s5+s3], $0x80, v4, vm0, $0xb8;
	[tilespmem:$0x18480] =	vst v63  }
0x544: {  	s18 =	simm.s32 $0x16480  }
0x545: {  	[tilespmem:s18], [sflag:$0x2] =	stream.indirect_vreg.gather [hbm4b:s6+s3], $0x80, v4, vm0, $0xb8;
	[tilespmem:$0x18480] =	vst v63  }
0x546: {  	s19 =	simm.s32 $0x16C80  }
0x547: {  	[tilespmem:s19], [sflag:$0x2] =	stream.indirect_vreg.gather [hbm4b:s1+s3], $0x80, v3, vm0, $0xb8;
	[tilespmem:$0x18480] =	vst v63  }
0x548: {  	s20 =	simm.s32 $0x17480  }
0x549: {  	[tilespmem:s20], [sflag:$0x2] =	stream.indirect_vreg.gather [hbm4b:s5+s3], $0x80, v3, vm0, $0xb8;
	[tilespmem:$0x18480] =	vst v63  }
0x54a: {  	s24 =	simm.s32 $0x17C80  }
0x54b: {  	[tilespmem:s24], [sflag:$0x2] =	stream.indirect_vreg.gather [hbm4b:s6+s3], $0x80, v3, vm0, $0xb8;
	[tilespmem:$0x18480] =	vst v63  }
0x54c: {  	_ =	swait.ge [sflag:s29], $0xC000  }
0x54d: {  	[sflag:s29] =	ssyncset.done $0x0  }
0x54e: {  	s25 =	rddreg [dreg:$0x14];
	[sflag:s29] =	ssyncadd.s32 $0xFFFF4000  }
0x54f: {  	[hbm4b:s25+s3] =	stream.linear.scatter [tilespmem:s26], [sflag:$0x4], $0xC000, $0x38;
	[tilespmem:$0x18480] =	vst v63  }
0x550: {  	_ =	swait.ge [sflag:s30], $0xC000  }
.Ltmp2:
0x551: {  	[sflag:s30] =	ssyncset.done $0x0;
	(pc) =	sbr.rel @p0 .LBB2_3-.Ltmp2, $4  }
0x552: {  	[sflag:s30] =	ssyncadd.s32 $0xFFFF4000  }
0x553: {  	_ =	swait.ge [sflag:s31], $0xC000  }
0x554: {  	[sflag:s31] =	ssyncset.done $0x0  }
0x555: {  	[sflag:s31] =	ssyncadd.s32 $0xFFFF4000  }
0x556: {  	s0 =	rddreg [dreg:$0x15];
	s2 =	simm.s32 $0x400  }
0x557: {  	[tilespmem:s2], [sflag:$0x5] =	stream.linear.gather [hbm4b:s0+s3], $0x40, $0x38;
	[tilespmem:$0x18480] =	vst v63  }
0x558: {  	s2 =	simm.s32 $0x5  }
0x559: {  	_ =	swait.ge [sflag:s2], $0x40  }
0x55a: {  	[sflag:s2] =	ssyncset.done $0x0  }
0x55b: {  	[sflag:s2] =	ssyncadd.s32 $0xFFFFFFC0  }
0x55c: {  	v3 =	vld [tilespmem:$0x400];
	_ =	sdelay $0x4  }
0x55d: {  	v4 =	vshrl.u32 v3, $0x3  }
0x55e: {  	v4 =	vmul.u32 $0x30, v4  }
0x55f: {  	v3 =	vand.u32 $0x7, v3  }
0x560: {  	v3 =	vor.u32 v3, v4  }
0x561: {  	v4 =	vperm.xlane v3, v0;
	_ =	sdelay $0x1  }
0x562: {  	v4 =	vadd.s32 v1, v4;
	_ =	sdelay $0x3  }
0x563: {  	v3 =	vperm.xlane v3, v2  }
0x564: {  	[tilespmem:s28], [sflag:$0x1] =	stream.indirect_vreg.gather [hbm4b:s1+s3], $0x80, v4, vm0, $0xb8;
	[tilespmem:$0x18480] =	vst v63  }
0x565: {  	s21 =	simm.s32 $0xC80;
	v3 =	vadd.s32 v1, v3  }
0x566: {  	[tilespmem:s21], [sflag:$0x1] =	stream.indirect_vreg.gather [hbm4b:s5+s3], $0x80, v4, vm0, $0xb8;
	[tilespmem:$0x18480] =	vst v63  }
0x567: {  	s22 =	simm.s32 $0x1480  }
0x568: {  	[tilespmem:s22], [sflag:$0x1] =	stream.indirect_vreg.gather [hbm4b:s6+s3], $0x80, v4, vm0, $0xb8;
	[tilespmem:$0x18480] =	vst v63  }
0x569: {  	s23 =	simm.s32 $0x1C80  }
0x56a: {  	[tilespmem:s23], [sflag:$0x1] =	stream.indirect_vreg.gather [hbm4b:s1+s3], $0x80, v3, vm0, $0xb8;
	[tilespmem:$0x18480] =	vst v63  }
0x56b: {  	s24 =	simm.s32 $0x2480  }
0x56c: {  	[tilespmem:s24], [sflag:$0x1] =	stream.indirect_vreg.gather [hbm4b:s5+s3], $0x80, v3, vm0, $0xb8;
	[tilespmem:$0x18480] =	vst v63  }
0x56d: {  	s25 =	simm.s32 $0x2C80  }
0x56e: {  	[tilespmem:s25], [sflag:$0x1] =	stream.indirect_vreg.gather [hbm4b:s6+s3], $0x80, v3, vm0, $0xb8;
	[tilespmem:$0x18480] =	vst v63  }
0x56f: {  	v3 =	vld [tilespmem:$0x410];
	_ =	sdelay $0x4  }
0x570: {  	v61 =	vshrl.u32 v3, $0x3  }
0x571: {  	v4 =	vmul.u32 $0x30, v61  }
0x572: {  	v3 =	vand.u32 $0x7, v3  }
0x573: {  	v3 =	vor.u32 v3, v4  }
0x574: {  	v4 =	vperm.xlane v3, v0;
	_ =	sdelay $0x1  }
0x575: {  	v4 =	vadd.s32 v1, v4;
	_ =	sdelay $0x3  }
0x576: {  	s4 =	simm.s32 $0x3480;
	v3 =	vperm.xlane v3, v2  }
0x577: {  	[tilespmem:s4], [sflag:$0x1] =	stream.indirect_vreg.gather [hbm4b:s1+s3], $0x80, v4, vm0, $0xb8;
	[tilespmem:$0x18480] =	vst v63  }
0x578: {  	s8 =	simm.s32 $0x3C80;
	v3 =	vadd.s32 v1, v3  }
0x579: {  	[tilespmem:s8], [sflag:$0x1] =	stream.indirect_vreg.gather [hbm4b:s5+s3], $0x80, v4, vm0, $0xb8;
	[tilespmem:$0x18480] =	vst v63  }
0x57a: {  	s9 =	simm.s32 $0x4480  }
0x57b: {  	[tilespmem:s9], [sflag:$0x1] =	stream.indirect_vreg.gather [hbm4b:s6+s3], $0x80, v4, vm0, $0xb8;
	[tilespmem:$0x18480] =	vst v63  }
0x57c: {  	s10 =	simm.s32 $0x4C80  }
0x57d: {  	[tilespmem:s10], [sflag:$0x1] =	stream.indirect_vreg.gather [hbm4b:s1+s3], $0x80, v3, vm0, $0xb8;
	[tilespmem:$0x18480] =	vst v63  }
0x57e: {  	s11 =	simm.s32 $0x5480  }
0x57f: {  	[tilespmem:s11], [sflag:$0x1] =	stream.indirect_vreg.gather [hbm4b:s5+s3], $0x80, v3, vm0, $0xb8;
	[tilespmem:$0x18480] =	vst v63  }
0x580: {  	s12 =	simm.s32 $0x5C80  }
0x581: {  	[tilespmem:s12], [sflag:$0x1] =	stream.indirect_vreg.gather [hbm4b:s6+s3], $0x80, v3, vm0, $0xb8;
	[tilespmem:$0x18480] =	vst v63  }
0x582: {  	v3 =	vld [tilespmem:$0x420];
	_ =	sdelay $0x4  }
0x583: {  	v62 =	vshrl.u32 v3, $0x3  }
0x584: {  	v4 =	vmul.u32 $0x30, v62  }
0x585: {  	v3 =	vand.u32 $0x7, v3  }
0x586: {  	v3 =	vor.u32 v3, v4  }
0x587: {  	v4 =	vperm.xlane v3, v0;
	_ =	sdelay $0x1  }
0x588: {  	v4 =	vadd.s32 v1, v4;
	_ =	sdelay $0x3  }
0x589: {  	s13 =	simm.s32 $0x6480;
	v3 =	vperm.xlane v3, v2  }
0x58a: {  	[tilespmem:s13], [sflag:$0x1] =	stream.indirect_vreg.gather [hbm4b:s1+s3], $0x80, v4, vm0, $0xb8;
	[tilespmem:$0x18480] =	vst v63  }
0x58b: {  	s14 =	simm.s32 $0x6C80;
	v3 =	vadd.s32 v1, v3  }
0x58c: {  	[tilespmem:s14], [sflag:$0x1] =	stream.indirect_vreg.gather [hbm4b:s5+s3], $0x80, v4, vm0, $0xb8;
	[tilespmem:$0x18480] =	vst v63  }
0x58d: {  	s15 =	simm.s32 $0x7480  }
0x58e: {  	[tilespmem:s15], [sflag:$0x1] =	stream.indirect_vreg.gather [hbm4b:s6+s3], $0x80, v4, vm0, $0xb8;
	[tilespmem:$0x18480] =	vst v63  }
0x58f: {  	s16 =	simm.s32 $0x7C80  }
0x590: {  	[tilespmem:s16], [sflag:$0x1] =	stream.indirect_vreg.gather [hbm4b:s1+s3], $0x80, v3, vm0, $0xb8;
	[tilespmem:$0x18480] =	vst v63  }
0x591: {  	s17 =	simm.s32 $0x8480  }
0x592: {  	[tilespmem:s17], [sflag:$0x1] =	stream.indirect_vreg.gather [hbm4b:s5+s3], $0x80, v3, vm0, $0xb8;
	[tilespmem:$0x18480] =	vst v63  }
0x593: {  	s18 =	simm.s32 $0x8C80  }
0x594: {  	[tilespmem:s18], [sflag:$0x1] =	stream.indirect_vreg.gather [hbm4b:s6+s3], $0x80, v3, vm0, $0xb8;
	[tilespmem:$0x18480] =	vst v63  }
0x595: {  	v3 =	vld [tilespmem:$0x430];
	_ =	sdelay $0x4  }
0x596: {  	v63 =	vshrl.u32 v3, $0x3  }
0x597: {  	v4 =	vmul.u32 $0x30, v63  }
0x598: {  	v3 =	vand.u32 $0x7, v3  }
0x599: {  	v3 =	vor.u32 v3, v4  }
0x59a: {  	v4 =	vperm.xlane v3, v0;
	_ =	sdelay $0x1  }
0x59b: {  	v4 =	vadd.s32 v1, v4;
	_ =	sdelay $0x3  }
0x59c: {  	s19 =	simm.s32 $0x9480;
	v3 =	vperm.xlane v3, v2  }
0x59d: {  	[tilespmem:s19], [sflag:$0x1] =	stream.indirect_vreg.gather [hbm4b:s1+s3], $0x80, v4, vm0, $0xb8;
	[tilespmem:$0x18480] =	vst v63  }
0x59e: {  	s20 =	simm.s32 $0x9C80;
	v3 =	vadd.s32 v1, v3  }
0x59f: {  	[tilespmem:s20], [sflag:$0x1] =	stream.indirect_vreg.gather [hbm4b:s5+s3], $0x80, v4, vm0, $0xb8;
	[tilespmem:$0x18480] =	vst v63  }
0x5a0: {  	s21 =	simm.s32 $0xA480  }
0x5a1: {  	[tilespmem:s21], [sflag:$0x1] =	stream.indirect_vreg.gather [hbm4b:s6+s3], $0x80, v4, vm0, $0xb8;
	[tilespmem:$0x18480] =	vst v63  }
0x5a2: {  	s22 =	simm.s32 $0xAC80  }
0x5a3: {  	[tilespmem:s22], [sflag:$0x1] =	stream.indirect_vreg.gather [hbm4b:s1+s3], $0x80, v3, vm0, $0xb8;
	[tilespmem:$0x18480] =	vst v63  }
0x5a4: {  	s23 =	simm.s32 $0xB480  }
0x5a5: {  	[tilespmem:s23], [sflag:$0x1] =	stream.indirect_vreg.gather [hbm4b:s5+s3], $0x80, v3, vm0, $0xb8;
	[tilespmem:$0x18480] =	vst v63  }
0x5a6: {  	s24 =	simm.s32 $0xBC80  }
0x5a7: {  	[tilespmem:s24], [sflag:$0x1] =	stream.indirect_vreg.gather [hbm4b:s6+s3], $0x80, v3, vm0, $0xb8;
	[tilespmem:$0x18480] =	vst v63  }
0x5a8: {  	_ =	swait.ge [sflag:s7], $0xC000  }
0x5a9: {  	[sflag:s7] =	ssyncset.done $0x0  }
.Ltmp3:
0x5aa: {  	s25 =	rddreg [dreg:$0x16];
	[sflag:s7] =	ssyncadd.s32 $0xFFFF4000;
	(pc) =	sbr.rel .LBB2_3-.Ltmp3, $4  }
0x5ab: {  	[hbm4b:s25+s3] =	stream.linear.scatter [tilespmem:s28], [sflag:$0x5], $0xC000, $0x38;
	[tilespmem:$0x18480] =	vst v63  }
0x5ac: {  	_ =	swait.ge [sflag:s2], $0xC000  }
0x5ad: {  	[sflag:s2] =	ssyncset.done $0x0  }
0x5ae: {  	[sflag:s2] =	ssyncadd.s32 $0xFFFF4000  }
.LBB2_4:
0x5af: {  	_ =	sfence.sel $0x180000  }
0x5b0: {  	[bflag:$0x0] =	sbarrier.arrive $0xFFFF  }
0x5b1: {  	_ =	strace $0x90000047  }
0x5b2: {  	s0 =	stileid.u32;
	[bflag:$0x2] =	sbarrier.arrive $0xFFFF  }
0x5b3: {  	p0 =	sne.s32 s0, $0x0;
	s0 =	rddreg [dreg:$0x3]  }
0x5b4: {  	s0 =	sadd.s32 @!p0 $0x100000, s0  }
0x5b5: {  	[sflag:s0] =	ssyncadd.tile.s32 @!p0 $0x1;
	_ =	shalt  }
.Lfunc_end2:
_tile_overlayer_lowered:
.L_overlay_start_2:
0x5b6: {  	(tag) =	ssettag $0x2  }
0x5b7: {  	s0 =	rddreg [dreg:$0x0];
	s2 =	stileid.u32  }
0x5b8: {  	s1 =	rddreg [dreg:$0x1];
	p0 =	sne.s32 s2, $0x0  }
0x5b9: {  	s3 =	rddreg [dreg:$0x2];
	[bflag:$0x3] =	sbarrier.arrive $0xFFFF;
	s2 =	simm.s32 @!p0 $0x1C05  }
0x5ba: {  	[timem:s3], [sflag:s2] =	dma.local @!p0 [hbm:s0], s1  }
0x5bb: {  	s0 =	simm.s32 @!p0 $0x5  }
0x5bc: {  	_ =	swait.ge @!p0 [sflag:s0], s1  }
0x5bd: {  	s1 =	ssub.s32 @!p0 $0x0, s1;
	[sflag:s0] =	ssyncset.done @!p0 $0x0  }
0x5be: {  	[sflag:s0] =	ssyncadd.s32 @!p0 s1  }
0x5bf: {  	[bflag:$0x3] =	sbarrier.arrive $0xFFFF  }
0x5c0: {  	_ =	shalt  }

</sc_bundles>
